<compile_context>
chip_gen: v7x
topology: tpu7x:2x2x1
jax: 0.10.2.dev20260603
libtpu: 0.0.44.dev20260713+nightly
codegen_flags: <defaults>
</compile_context>

<pallas_src>
import functools

import jax
import jax.numpy as jnp
from jax import lax
from jax.experimental import pallas as pl
from jax.experimental.pallas import tpu as pltpu
from jax.experimental.pallas import tpu_sc as plsc

VOCAB_SIZE = 100000
EMB_DIM = 128
BATCH = 4096
HIST_LEN = 50

NC = 2
NS = 16
NW = NC * NS

B_TOTAL = BATCH * HIST_LEN
B_PER_W = B_TOTAL // NW
CHUNK = 64
N_CHUNKS = B_PER_W // CHUNK
NBUF = 10
N_GROUPS = N_CHUNKS // NBUF
CPB = BATCH // CHUNK


def _make_gather():
  mesh = plsc.VectorSubcoreMesh(core_axis_name="c", subcore_axis_name="s",
                                num_cores=NC, num_subcores=NS)

  scratch = [pltpu.VMEM((B_PER_W,), jnp.int32)]
  scratch += [pltpu.VMEM((CHUNK, EMB_DIM), jnp.float32) for _ in range(NBUF)]
  scratch += [pltpu.SemaphoreType.DMA for _ in range(2 * NBUF)]

  @functools.partial(
      pl.kernel,
      out_type=jax.ShapeDtypeStruct((HIST_LEN, BATCH, EMB_DIM), jnp.float32),
      mesh=mesh,
      scratch_types=scratch,
      compiler_params=pltpu.CompilerParams(use_tc_tiling_on_sc=True),
  )
  def gather_kernel(idx_hbm, table_hbm, out_hbm, idx_v, *bufs_and_sems):
    rows = bufs_and_sems[:NBUF]
    gsem = bufs_and_sems[NBUF:2 * NBUF]
    wsem = bufs_and_sems[2 * NBUF:]

    wid = lax.axis_index("s") * NC + lax.axis_index("c")
    base = pl.multiple_of(wid * B_PER_W, B_PER_W)
    u0 = pl.multiple_of(wid * N_CHUNKS, N_CHUNKS)
    pltpu.sync_copy(idx_hbm.at[pl.ds(base, B_PER_W)], idx_v)

    def unit(k):
      u = u0 + k
      return u // CPB, pl.multiple_of((u % CPB) * CHUNK, CHUNK)

    def gather(k, b):
      return pltpu.async_copy(
          table_hbm.at[idx_v.at[pl.ds(k * CHUNK, CHUNK)]], rows[b], gsem[b])

    for b in range(NBUF):
      gather(b, b)

    def group(i, _):
      for b in range(NBUF):
        k = i * NBUF + b
        h, boff = unit(k)
        pltpu.make_async_copy(
            table_hbm.at[idx_v.at[pl.ds(k * CHUNK, CHUNK)]], rows[b],
            gsem[b]).wait()
        pltpu.async_copy(rows[b], out_hbm.at[h, pl.ds(boff, CHUNK)], wsem[b])
        pltpu.make_async_copy(rows[b], out_hbm.at[h, pl.ds(boff, CHUNK)],
                              wsem[b]).wait()
        gather(k + NBUF, b)
      return 0

    lax.fori_loop(0, N_GROUPS - 1, group, 0)

    for b in range(NBUF):
      k = (N_GROUPS - 1) * NBUF + b
      h, boff = unit(k)
      pltpu.make_async_copy(
          table_hbm.at[idx_v.at[pl.ds(k * CHUNK, CHUNK)]], rows[b],
          gsem[b]).wait()
      pltpu.async_copy(rows[b], out_hbm.at[h, pl.ds(boff, CHUNK)], wsem[b])
    for b in range(NBUF):
      k = (N_GROUPS - 1) * NBUF + b
      h, boff = unit(k)
      pltpu.make_async_copy(rows[b], out_hbm.at[h, pl.ds(boff, CHUNK)],
                            wsem[b]).wait()

  return gather_kernel


_gather = _make_gather()


def kernel(x, table):
  idx = x.astype(jnp.int32).T.reshape(-1)
  out = _gather(idx, table)
  return out.transpose(1, 0, 2)

# --- scband reference (transcript-rebuilt; emitter-appended) ---
"""Pipeline reference for scband-embedding-68401649156848 (READ-ONLY COPY).

The authoritative reference and input builder live on the scoring server;
editing this copy changes nothing except your own understanding.
"""

import jax, jax.numpy as jnp
import numpy as np

VOCAB_SIZE = 100000
EMB_DIM = 128
BATCH = 4096
HIST_LEN = 50
PAD_IDX = 0


def setup_inputs(seed: int = 0) -> dict:
    key = jax.random.key(seed)
    k_idx, k_emb = jax.random.split(key)
    x = jax.random.randint(k_idx, (BATCH, HIST_LEN), 0, VOCAB_SIZE, dtype=jnp.int64)
    # Embedding table (randomly initialized, padding row zeroed like nn.Embedding padding_idx)
    table = jax.random.normal(k_emb, (VOCAB_SIZE, EMB_DIM), dtype=jnp.float32)
    table = table.at[PAD_IDX].set(0.0)
    return {"x": x, "table": table}


def reference(x, table):
    # nn.Embedding lookup: gather rows of the table by index.
    emb = jnp.take(table, x, axis=0)
    # Dropout is a no-op in eval mode (reference uses inference behavior).
    return emb

if __name__ == "__main__":
    import jax
    _d = setup_inputs()
    print(jax.jit(kernel)(*tuple(_d.values())))

</pallas_src>

<mosaic_0001>
#map = affine_map<(d0, d1) -> (0)>
#map1 = affine_map<(d0, d1) -> (0, 0)>
#map2 = affine_map<(d0, d1) -> (0, 0, 0)>
module attributes {stable_mosaic.version = 14 : i64} {
  func.func @gather_kernel(%arg0: i32, %arg1: i32, %arg2: memref<204800xi32, #tpu.memory_space<hbm>>, %arg3: memref<100000x128xf32, #tpu.memory_space<hbm>>, %arg4: memref<50x4096x128xf32, #tpu.memory_space<hbm>>, %arg5: memref<6400xi32, #tpu.memory_space<vmem>>, %arg6: memref<64x128xf32, #tpu.memory_space<vmem>>, %arg7: memref<64x128xf32, #tpu.memory_space<vmem>>, %arg8: memref<64x128xf32, #tpu.memory_space<vmem>>, %arg9: memref<64x128xf32, #tpu.memory_space<vmem>>, %arg10: memref<64x128xf32, #tpu.memory_space<vmem>>, %arg11: memref<64x128xf32, #tpu.memory_space<vmem>>, %arg12: memref<64x128xf32, #tpu.memory_space<vmem>>, %arg13: memref<64x128xf32, #tpu.memory_space<vmem>>, %arg14: memref<64x128xf32, #tpu.memory_space<vmem>>, %arg15: memref<64x128xf32, #tpu.memory_space<vmem>>, %arg16: memref<!tpu.dma_semaphore, #tpu.memory_space<semaphore_mem>>, %arg17: memref<!tpu.dma_semaphore, #tpu.memory_space<semaphore_mem>>, %arg18: memref<!tpu.dma_semaphore, #tpu.memory_space<semaphore_mem>>, %arg19: memref<!tpu.dma_semaphore, #tpu.memory_space<semaphore_mem>>, %arg20: memref<!tpu.dma_semaphore, #tpu.memory_space<semaphore_mem>>, %arg21: memref<!tpu.dma_semaphore, #tpu.memory_space<semaphore_mem>>, %arg22: memref<!tpu.dma_semaphore, #tpu.memory_space<semaphore_mem>>, %arg23: memref<!tpu.dma_semaphore, #tpu.memory_space<semaphore_mem>>, %arg24: memref<!tpu.dma_semaphore, #tpu.memory_space<semaphore_mem>>, %arg25: memref<!tpu.dma_semaphore, #tpu.memory_space<semaphore_mem>>, %arg26: memref<!tpu.dma_semaphore, #tpu.memory_space<semaphore_mem>>, %arg27: memref<!tpu.dma_semaphore, #tpu.memory_space<semaphore_mem>>, %arg28: memref<!tpu.dma_semaphore, #tpu.memory_space<semaphore_mem>>, %arg29: memref<!tpu.dma_semaphore, #tpu.memory_space<semaphore_mem>>, %arg30: memref<!tpu.dma_semaphore, #tpu.memory_space<semaphore_mem>>, %arg31: memref<!tpu.dma_semaphore, #tpu.memory_space<semaphore_mem>>, %arg32: memref<!tpu.dma_semaphore, #tpu.memory_space<semaphore_mem>>, %arg33: memref<!tpu.dma_semaphore, #tpu.memory_space<semaphore_mem>>, %arg34: memref<!tpu.dma_semaphore, #tpu.memory_space<semaphore_mem>>, %arg35: memref<!tpu.dma_semaphore, #tpu.memory_space<semaphore_mem>>) attributes {dimension_semantics = [#tpu.dimension_semantics<core_parallel>, #tpu.dimension_semantics<subcore_parallel>], iteration_bounds = array<i64: 2, 16>, scalar_prefetch = 0 : i64, scratch_operands = 31 : i64, tpu.core_type = #tpu.core_type<sc_vector_subcore>, window_params = [{transform_indices = #map}, {transform_indices = #map1}, {transform_indices = #map2}]} {
    %mul3A = arith.constant 2 : i32
    %mul3A_0 = arith.muli %arg1, %mul3A : i32
    %add3A = arith.addi %mul3A_0, %arg0 : i32
    %mul3A_1 = arith.constant 6400 : i32
    %mul3A_2 = arith.muli %add3A, %mul3A_1 : i32
    %multiple_of3A = tpu.assume_multiple %mul3A_2, 6400 : i32
    %mul3A_3 = arith.constant 100 : i32
    %mul3A_4 = arith.muli %add3A, %mul3A_3 : i32
    %multiple_of3A_5 = tpu.assume_multiple %mul3A_4, 100 : i32
    "tpu.region"() ({
      %run_scoped3A = tpu.sem_alloc : memref<!tpu.dma_semaphore, #tpu.memory_space<semaphore_mem>>
      %dma_start3A_1120 = tpu.memref_slice %arg2[%multiple_of3A] : memref<204800xi32, #tpu.memory_space<hbm>> -> memref<6400xi32, #tpu.memory_space<hbm>>
      %dma_start3A_1121 = tpu.memref_slice %arg2[%multiple_of3A] : memref<204800xi32, #tpu.memory_space<hbm>> -> memref<6400xi32, #tpu.memory_space<hbm>>
      tpu.enqueue_dma source(%dma_start3A_1121 : memref<6400xi32, #tpu.memory_space<hbm>>) target(%arg5 : memref<6400xi32, #tpu.memory_space<vmem>>) target_semaphore(%run_scoped3A : memref<!tpu.dma_semaphore, #tpu.memory_space<semaphore_mem>>)
      %dma_wait3A_1122 = tpu.memref_slice %arg2[%multiple_of3A] : memref<204800xi32, #tpu.memory_space<hbm>> -> memref<6400xi32, #tpu.memory_space<hbm>>
      %dma_wait3A_1123 = tpu.memref_slice %arg2[%multiple_of3A] : memref<204800xi32, #tpu.memory_space<hbm>> -> memref<6400xi32, #tpu.memory_space<hbm>>
      tpu.wait_dma2 semaphore(%run_scoped3A : memref<!tpu.dma_semaphore, #tpu.memory_space<semaphore_mem>>) src(%dma_wait3A_1123 : memref<6400xi32, #tpu.memory_space<hbm>>) dst(%arg5 : memref<6400xi32, #tpu.memory_space<vmem>>)
      tpu.yield
    }) : () -> ()
    %dma_start3A = arith.constant 0 : i32
    %dma_start3A_6 = tpu.memref_slice %arg5[%dma_start3A] : memref<6400xi32, #tpu.memory_space<vmem>> -> memref<64xi32, #tpu.memory_space<vmem>>
    %dma_start3A_7 = arith.constant 0 : i32
    %dma_start3A_8 = arith.constant 0 : i32
    %dma_start3A_9 = tpu.memref_slice %arg3[%dma_start3A_7, %dma_start3A_8] : memref<100000x128xf32, #tpu.memory_space<hbm>> -> memref<100000x128xf32, #tpu.memory_space<hbm>>
    tpu.enqueue_indirect_dma source(%dma_start3A_9 : memref<100000x128xf32, #tpu.memory_space<hbm>>) target(%arg6 : memref<64x128xf32, #tpu.memory_space<vmem>>) offsets(%dma_start3A_6 : memref<64xi32, #tpu.memory_space<vmem>>) semaphore(%arg16 : memref<!tpu.dma_semaphore, #tpu.memory_space<semaphore_mem>>)
    %dma_start3A_10 = arith.constant 64 : i32
    %dma_start3A_11 = tpu.memref_slice %arg5[%dma_start3A_10] : memref<6400xi32, #tpu.memory_space<vmem>> -> memref<64xi32, #tpu.memory_space<vmem>>
    %dma_start3A_12 = arith.constant 0 : i32
    %dma_start3A_13 = arith.constant 0 : i32
    %dma_start3A_14 = tpu.memref_slice %arg3[%dma_start3A_12, %dma_start3A_13] : memref<100000x128xf32, #tpu.memory_space<hbm>> -> memref<100000x128xf32, #tpu.memory_space<hbm>>
    tpu.enqueue_indirect_dma source(%dma_start3A_14 : memref<100000x128xf32, #tpu.memory_space<hbm>>) target(%arg7 : memref<64x128xf32, #tpu.memory_space<vmem>>) offsets(%dma_start3A_11 : memref<64xi32, #tpu.memory_space<vmem>>) semaphore(%arg17 : memref<!tpu.dma_semaphore, #tpu.memory_space<semaphore_mem>>)
    %dma_start3A_15 = arith.constant 128 : i32
    %dma_start3A_16 = tpu.memref_slice %arg5[%dma_start3A_15] : memref<6400xi32, #tpu.memory_space<vmem>> -> memref<64xi32, #tpu.memory_space<vmem>>
    %dma_start3A_17 = arith.constant 0 : i32
    %dma_start3A_18 = arith.constant 0 : i32
    %dma_start3A_19 = tpu.memref_slice %arg3[%dma_start3A_17, %dma_start3A_18] : memref<100000x128xf32, #tpu.memory_space<hbm>> -> memref<100000x128xf32, #tpu.memory_space<hbm>>
    tpu.enqueue_indirect_dma source(%dma_start3A_19 : memref<100000x128xf32, #tpu.memory_space<hbm>>) target(%arg8 : memref<64x128xf32, #tpu.memory_space<vmem>>) offsets(%dma_start3A_16 : memref<64xi32, #tpu.memory_space<vmem>>) semaphore(%arg18 : memref<!tpu.dma_semaphore, #tpu.memory_space<semaphore_mem>>)
    %dma_start3A_20 = arith.constant 192 : i32
    %dma_start3A_21 = tpu.memref_slice %arg5[%dma_start3A_20] : memref<6400xi32, #tpu.memory_space<vmem>> -> memref<64xi32, #tpu.memory_space<vmem>>
    %dma_start3A_22 = arith.constant 0 : i32
    %dma_start3A_23 = arith.constant 0 : i32
    %dma_start3A_24 = tpu.memref_slice %arg3[%dma_start3A_22, %dma_start3A_23] : memref<100000x128xf32, #tpu.memory_space<hbm>> -> memref<100000x128xf32, #tpu.memory_space<hbm>>
    tpu.enqueue_indirect_dma source(%dma_start3A_24 : memref<100000x128xf32, #tpu.memory_space<hbm>>) target(%arg9 : memref<64x128xf32, #tpu.memory_space<vmem>>) offsets(%dma_start3A_21 : memref<64xi32, #tpu.memory_space<vmem>>) semaphore(%arg19 : memref<!tpu.dma_semaphore, #tpu.memory_space<semaphore_mem>>)
    %dma_start3A_25 = arith.constant 256 : i32
    %dma_start3A_26 = tpu.memref_slice %arg5[%dma_start3A_25] : memref<6400xi32, #tpu.memory_space<vmem>> -> memref<64xi32, #tpu.memory_space<vmem>>
    %dma_start3A_27 = arith.constant 0 : i32
    %dma_start3A_28 = arith.constant 0 : i32
    %dma_start3A_29 = tpu.memref_slice %arg3[%dma_start3A_27, %dma_start3A_28] : memref<100000x128xf32, #tpu.memory_space<hbm>> -> memref<100000x128xf32, #tpu.memory_space<hbm>>
    tpu.enqueue_indirect_dma source(%dma_start3A_29 : memref<100000x128xf32, #tpu.memory_space<hbm>>) target(%arg10 : memref<64x128xf32, #tpu.memory_space<vmem>>) offsets(%dma_start3A_26 : memref<64xi32, #tpu.memory_space<vmem>>) semaphore(%arg20 : memref<!tpu.dma_semaphore, #tpu.memory_space<semaphore_mem>>)
    %dma_start3A_30 = arith.constant 320 : i32
    %dma_start3A_31 = tpu.memref_slice %arg5[%dma_start3A_30] : memref<6400xi32, #tpu.memory_space<vmem>> -> memref<64xi32, #tpu.memory_space<vmem>>
    %dma_start3A_32 = arith.constant 0 : i32
    %dma_start3A_33 = arith.constant 0 : i32
    %dma_start3A_34 = tpu.memref_slice %arg3[%dma_start3A_32, %dma_start3A_33] : memref<100000x128xf32, #tpu.memory_space<hbm>> -> memref<100000x128xf32, #tpu.memory_space<hbm>>
    tpu.enqueue_indirect_dma source(%dma_start3A_34 : memref<100000x128xf32, #tpu.memory_space<hbm>>) target(%arg11 : memref<64x128xf32, #tpu.memory_space<vmem>>) offsets(%dma_start3A_31 : memref<64xi32, #tpu.memory_space<vmem>>) semaphore(%arg21 : memref<!tpu.dma_semaphore, #tpu.memory_space<semaphore_mem>>)
    %dma_start3A_35 = arith.constant 384 : i32
    %dma_start3A_36 = tpu.memref_slice %arg5[%dma_start3A_35] : memref<6400xi32, #tpu.memory_space<vmem>> -> memref<64xi32, #tpu.memory_space<vmem>>
    %dma_start3A_37 = arith.constant 0 : i32
    %dma_start3A_38 = arith.constant 0 : i32
    %dma_start3A_39 = tpu.memref_slice %arg3[%dma_start3A_37, %dma_start3A_38] : memref<100000x128xf32, #tpu.memory_space<hbm>> -> memref<100000x128xf32, #tpu.memory_space<hbm>>
    tpu.enqueue_indirect_dma source(%dma_start3A_39 : memref<100000x128xf32, #tpu.memory_space<hbm>>) target(%arg12 : memref<64x128xf32, #tpu.memory_space<vmem>>) offsets(%dma_start3A_36 : memref<64xi32, #tpu.memory_space<vmem>>) semaphore(%arg22 : memref<!tpu.dma_semaphore, #tpu.memory_space<semaphore_mem>>)
    %dma_start3A_40 = arith.constant 448 : i32
    %dma_start3A_41 = tpu.memref_slice %arg5[%dma_start3A_40] : memref<6400xi32, #tpu.memory_space<vmem>> -> memref<64xi32, #tpu.memory_space<vmem>>
    %dma_start3A_42 = arith.constant 0 : i32
    %dma_start3A_43 = arith.constant 0 : i32
    %dma_start3A_44 = tpu.memref_slice %arg3[%dma_start3A_42, %dma_start3A_43] : memref<100000x128xf32, #tpu.memory_space<hbm>> -> memref<100000x128xf32, #tpu.memory_space<hbm>>
    tpu.enqueue_indirect_dma source(%dma_start3A_44 : memref<100000x128xf32, #tpu.memory_space<hbm>>) target(%arg13 : memref<64x128xf32, #tpu.memory_space<vmem>>) offsets(%dma_start3A_41 : memref<64xi32, #tpu.memory_space<vmem>>) semaphore(%arg23 : memref<!tpu.dma_semaphore, #tpu.memory_space<semaphore_mem>>)
    %dma_start3A_45 = arith.constant 512 : i32
    %dma_start3A_46 = tpu.memref_slice %arg5[%dma_start3A_45] : memref<6400xi32, #tpu.memory_space<vmem>> -> memref<64xi32, #tpu.memory_space<vmem>>
    %dma_start3A_47 = arith.constant 0 : i32
    %dma_start3A_48 = arith.constant 0 : i32
    %dma_start3A_49 = tpu.memref_slice %arg3[%dma_start3A_47, %dma_start3A_48] : memref<100000x128xf32, #tpu.memory_space<hbm>> -> memref<100000x128xf32, #tpu.memory_space<hbm>>
    tpu.enqueue_indirect_dma source(%dma_start3A_49 : memref<100000x128xf32, #tpu.memory_space<hbm>>) target(%arg14 : memref<64x128xf32, #tpu.memory_space<vmem>>) offsets(%dma_start3A_46 : memref<64xi32, #tpu.memory_space<vmem>>) semaphore(%arg24 : memref<!tpu.dma_semaphore, #tpu.memory_space<semaphore_mem>>)
    %dma_start3A_50 = arith.constant 576 : i32
    %dma_start3A_51 = tpu.memref_slice %arg5[%dma_start3A_50] : memref<6400xi32, #tpu.memory_space<vmem>> -> memref<64xi32, #tpu.memory_space<vmem>>
    %dma_start3A_52 = arith.constant 0 : i32
    %dma_start3A_53 = arith.constant 0 : i32
    %dma_start3A_54 = tpu.memref_slice %arg3[%dma_start3A_52, %dma_start3A_53] : memref<100000x128xf32, #tpu.memory_space<hbm>> -> memref<100000x128xf32, #tpu.memory_space<hbm>>
    tpu.enqueue_indirect_dma source(%dma_start3A_54 : memref<100000x128xf32, #tpu.memory_space<hbm>>) target(%arg15 : memref<64x128xf32, #tpu.memory_space<vmem>>) offsets(%dma_start3A_51 : memref<64xi32, #tpu.memory_space<vmem>>) semaphore(%arg25 : memref<!tpu.dma_semaphore, #tpu.memory_space<semaphore_mem>>)
    %scan3A = arith.constant 0 : i32
    %scan3A_55 = arith.constant 0 : i32
    %scan3A_56 = arith.constant 9 : i32
    %scan3A_57 = arith.addi %scan3A_55, %scan3A_56 : i32
    %scan3A_58 = arith.constant 1 : i32
    %scan3A_59 = scf.for %scan3A_1120 = %scan3A_55 to %scan3A_57 step %scan3A_58 iter_args(%scan3A_1121 = %scan3A) -> (i32)  : i32 {
      %mul3A_1122 = arith.constant 10 : i32
      %mul3A_1123 = arith.muli %scan3A_1120, %mul3A_1122 : i32
      %add3A_1124 = arith.constant 0 : i32
      %add3A_1125 = arith.addi %mul3A_1123, %add3A_1124 : i32
      %add3A_1126 = arith.addi %multiple_of3A_5, %add3A_1125 : i32
      %jit3A_1127 = arith.constant 64 : i32
      %div3A_1128 = arith.divsi %add3A_1126, %jit3A_1127 : i32
      %sign3A_1129 = arith.constant 0 : i32
      %sign3A_1130 = arith.cmpi sgt, %add3A_1126, %sign3A_1129 : i32
      %sign3A_1131 = arith.extui %sign3A_1130 : i1 to i32
      %sign3A_1132 = arith.constant 0 : i32
      %sign3A_1133 = arith.cmpi slt, %add3A_1126, %sign3A_1132 : i32
      %sign3A_1134 = arith.extui %sign3A_1133 : i1 to i32
      %sign3A_1135 = arith.subi %sign3A_1131, %sign3A_1134 : i32
      %sign3A_1136 = arith.constant 0 : i32
      %sign3A_1137 = arith.cmpi sgt, %jit3A_1127, %sign3A_1136 : i32
      %sign3A_1138 = arith.extui %sign3A_1137 : i1 to i32
      %sign3A_1139 = arith.constant 0 : i32
      %sign3A_1140 = arith.cmpi slt, %jit3A_1127, %sign3A_1139 : i32
      %sign3A_1141 = arith.extui %sign3A_1140 : i1 to i32
      %sign3A_1142 = arith.subi %sign3A_1138, %sign3A_1141 : i32
      %ne3A_1143 = arith.cmpi ne, %sign3A_1135, %sign3A_1142 : i32
      %rem3A_1144 = arith.remsi %add3A_1126, %jit3A_1127 : i32
      %ne3A_1145 = arith.constant 0 : i32
      %ne3A_1146 = arith.cmpi ne, %rem3A_1144, %ne3A_1145 : i32
      %and3A_1147 = arith.andi %ne3A_1143, %ne3A_1146 : i1
      %sub3A_1148 = arith.constant 1 : i32
      %sub3A_1149 = arith.subi %div3A_1128, %sub3A_1148 : i32
      %select_n3A_1150 = arith.select %and3A_1147, %sub3A_1149, %div3A_1128 : i32
      %jit3A_1151 = arith.constant 64 : i32
      %eq3A_1152 = arith.constant 0 : i32
      %eq3A_1153 = arith.cmpi eq, %jit3A_1151, %eq3A_1152 : i32
      %jit3A_1154 = arith.constant 1 : i32
      %select_n3A_1155 = arith.select %eq3A_1153, %jit3A_1154, %jit3A_1151 : i32
      %rem3A_1156 = arith.remsi %add3A_1126, %select_n3A_1155 : i32
      %ne3A_1157 = arith.constant 0 : i32
      %ne3A_1158 = arith.cmpi ne, %rem3A_1156, %ne3A_1157 : i32
      %lt3A_1159 = arith.constant 0 : i32
      %lt3A_1160 = arith.cmpi slt, %rem3A_1156, %lt3A_1159 : i32
      %lt3A_1161 = arith.constant 0 : i32
      %lt3A_1162 = arith.cmpi slt, %select_n3A_1155, %lt3A_1161 : i32
      %ne3A_1163 = arith.xori %lt3A_1160, %lt3A_1162 : i1
      %and3A_1164 = arith.andi %ne3A_1163, %ne3A_1158 : i1
      %add3A_1165 = arith.addi %rem3A_1156, %select_n3A_1155 : i32
      %select_n3A_1166 = arith.select %and3A_1164, %add3A_1165, %rem3A_1156 : i32
      %mul3A_1167 = arith.constant 64 : i32
      %mul3A_1168 = arith.muli %select_n3A_1166, %mul3A_1167 : i32
      %multiple_of3A_1169 = tpu.assume_multiple %mul3A_1168, 64 : i32
      %mul3A_1170 = arith.constant 64 : i32
      %mul3A_1171 = arith.muli %add3A_1125, %mul3A_1170 : i32
      %dma_wait3A_1172 = tpu.memref_slice %arg5[%mul3A_1171] : memref<6400xi32, #tpu.memory_space<vmem>> -> memref<64xi32, #tpu.memory_space<vmem>>
      %dma_wait3A_1173 = arith.constant 0 : i32
      %dma_wait3A_1174 = arith.constant 0 : i32
      %dma_wait3A_1175 = tpu.memref_slice %arg3[%dma_wait3A_1173, %dma_wait3A_1174] : memref<100000x128xf32, #tpu.memory_space<hbm>> -> memref<100000x128xf32, #tpu.memory_space<hbm>>
      tpu.wait_indirect_dma semaphore(%arg16 : memref<!tpu.dma_semaphore, #tpu.memory_space<semaphore_mem>>) src(%dma_wait3A_1175 : memref<100000x128xf32, #tpu.memory_space<hbm>>) dst(%arg6 : memref<64x128xf32, #tpu.memory_space<vmem>>)
      %dma_start3A_1176 = arith.constant 0 : i32
      %dma_start3A_1177 = tpu.memref_slice %arg4[%select_n3A_1150, %multiple_of3A_1169, %dma_start3A_1176] : memref<50x4096x128xf32, #tpu.memory_space<hbm>> -> memref<1x64x128xf32, #tpu.memory_space<hbm>>
      %dma_start3A_1178 = tpu.memref_squeeze %dma_start3A_1177 : memref<1x64x128xf32, #tpu.memory_space<hbm>> -> memref<64x128xf32, #tpu.memory_space<hbm>>
      %dma_start3A_1179 = arith.constant 0 : i32
      %dma_start3A_1180 = tpu.memref_slice %arg4[%select_n3A_1150, %multiple_of3A_1169, %dma_start3A_1179] : memref<50x4096x128xf32, #tpu.memory_space<hbm>> -> memref<1x64x128xf32, #tpu.memory_space<hbm>>
      %dma_start3A_1181 = tpu.memref_squeeze %dma_start3A_1180 : memref<1x64x128xf32, #tpu.memory_space<hbm>> -> memref<64x128xf32, #tpu.memory_space<hbm>>
      tpu.enqueue_dma source(%arg6 : memref<64x128xf32, #tpu.memory_space<vmem>>) target(%dma_start3A_1181 : memref<64x128xf32, #tpu.memory_space<hbm>>) target_semaphore(%arg26 : memref<!tpu.dma_semaphore, #tpu.memory_space<semaphore_mem>>)
      %dma_wait3A_1182 = arith.constant 0 : i32
      %dma_wait3A_1183 = tpu.memref_slice %arg4[%select_n3A_1150, %multiple_of3A_1169, %dma_wait3A_1182] : memref<50x4096x128xf32, #tpu.memory_space<hbm>> -> memref<1x64x128xf32, #tpu.memory_space<hbm>>
      %dma_wait3A_1184 = tpu.memref_squeeze %dma_wait3A_1183 : memref<1x64x128xf32, #tpu.memory_space<hbm>> -> memref<64x128xf32, #tpu.memory_space<hbm>>
      %dma_wait3A_1185 = arith.constant 0 : i32
      %dma_wait3A_1186 = tpu.memref_slice %arg4[%select_n3A_1150, %multiple_of3A_1169, %dma_wait3A_1185] : memref<50x4096x128xf32, #tpu.memory_space<hbm>> -> memref<1x64x128xf32, #tpu.memory_space<hbm>>
      %dma_wait3A_1187 = tpu.memref_squeeze %dma_wait3A_1186 : memref<1x64x128xf32, #tpu.memory_space<hbm>> -> memref<64x128xf32, #tpu.memory_space<hbm>>
      tpu.wait_dma2 semaphore(%arg26 : memref<!tpu.dma_semaphore, #tpu.memory_space<semaphore_mem>>) src(%arg6 : memref<64x128xf32, #tpu.memory_space<vmem>>) dst(%dma_wait3A_1187 : memref<64x128xf32, #tpu.memory_space<hbm>>)
      %add3A_1188 = arith.constant 10 : i32
      %add3A_1189 = arith.addi %add3A_1125, %add3A_1188 : i32
      %mul3A_1190 = arith.constant 64 : i32
      %mul3A_1191 = arith.muli %add3A_1189, %mul3A_1190 : i32
      %dma_start3A_1192 = tpu.memref_slice %arg5[%mul3A_1191] : memref<6400xi32, #tpu.memory_space<vmem>> -> memref<64xi32, #tpu.memory_space<vmem>>
      %dma_start3A_1193 = arith.constant 0 : i32
      %dma_start3A_1194 = arith.constant 0 : i32
      %dma_start3A_1195 = tpu.memref_slice %arg3[%dma_start3A_1193, %dma_start3A_1194] : memref<100000x128xf32, #tpu.memory_space<hbm>> -> memref<100000x128xf32, #tpu.memory_space<hbm>>
      tpu.enqueue_indirect_dma source(%dma_start3A_1195 : memref<100000x128xf32, #tpu.memory_space<hbm>>) target(%arg6 : memref<64x128xf32, #tpu.memory_space<vmem>>) offsets(%dma_start3A_1192 : memref<64xi32, #tpu.memory_space<vmem>>) semaphore(%arg16 : memref<!tpu.dma_semaphore, #tpu.memory_space<semaphore_mem>>)
      %mul3A_1196 = arith.constant 10 : i32
      %mul3A_1197 = arith.muli %scan3A_1120, %mul3A_1196 : i32
      %add3A_1198 = arith.constant 1 : i32
      %add3A_1199 = arith.addi %mul3A_1197, %add3A_1198 : i32
      %add3A_1200 = arith.addi %multiple_of3A_5, %add3A_1199 : i32
      %jit3A_1201 = arith.constant 64 : i32
      %div3A_1202 = arith.divsi %add3A_1200, %jit3A_1201 : i32
      %sign3A_1203 = arith.constant 0 : i32
      %sign3A_1204 = arith.cmpi sgt, %add3A_1200, %sign3A_1203 : i32
      %sign3A_1205 = arith.extui %sign3A_1204 : i1 to i32
      %sign3A_1206 = arith.constant 0 : i32
      %sign3A_1207 = arith.cmpi slt, %add3A_1200, %sign3A_1206 : i32
      %sign3A_1208 = arith.extui %sign3A_1207 : i1 to i32
      %sign3A_1209 = arith.subi %sign3A_1205, %sign3A_1208 : i32
      %sign3A_1210 = arith.constant 0 : i32
      %sign3A_1211 = arith.cmpi sgt, %jit3A_1201, %sign3A_1210 : i32
      %sign3A_1212 = arith.extui %sign3A_1211 : i1 to i32
      %sign3A_1213 = arith.constant 0 : i32
      %sign3A_1214 = arith.cmpi slt, %jit3A_1201, %sign3A_1213 : i32
      %sign3A_1215 = arith.extui %sign3A_1214 : i1 to i32
      %sign3A_1216 = arith.subi %sign3A_1212, %sign3A_1215 : i32
      %ne3A_1217 = arith.cmpi ne, %sign3A_1209, %sign3A_1216 : i32
      %rem3A_1218 = arith.remsi %add3A_1200, %jit3A_1201 : i32
      %ne3A_1219 = arith.constant 0 : i32
      %ne3A_1220 = arith.cmpi ne, %rem3A_1218, %ne3A_1219 : i32
      %and3A_1221 = arith.andi %ne3A_1217, %ne3A_1220 : i1
      %sub3A_1222 = arith.constant 1 : i32
      %sub3A_1223 = arith.subi %div3A_1202, %sub3A_1222 : i32
      %select_n3A_1224 = arith.select %and3A_1221, %sub3A_1223, %div3A_1202 : i32
      %jit3A_1225 = arith.constant 64 : i32
      %eq3A_1226 = arith.constant 0 : i32
      %eq3A_1227 = arith.cmpi eq, %jit3A_1225, %eq3A_1226 : i32
      %jit3A_1228 = arith.constant 1 : i32
      %select_n3A_1229 = arith.select %eq3A_1227, %jit3A_1228, %jit3A_1225 : i32
      %rem3A_1230 = arith.remsi %add3A_1200, %select_n3A_1229 : i32
      %ne3A_1231 = arith.constant 0 : i32
      %ne3A_1232 = arith.cmpi ne, %rem3A_1230, %ne3A_1231 : i32
      %lt3A_1233 = arith.constant 0 : i32
      %lt3A_1234 = arith.cmpi slt, %rem3A_1230, %lt3A_1233 : i32
      %lt3A_1235 = arith.constant 0 : i32
      %lt3A_1236 = arith.cmpi slt, %select_n3A_1229, %lt3A_1235 : i32
      %ne3A_1237 = arith.xori %lt3A_1234, %lt3A_1236 : i1
      %and3A_1238 = arith.andi %ne3A_1237, %ne3A_1232 : i1
      %add3A_1239 = arith.addi %rem3A_1230, %select_n3A_1229 : i32
      %select_n3A_1240 = arith.select %and3A_1238, %add3A_1239, %rem3A_1230 : i32
      %mul3A_1241 = arith.constant 64 : i32
      %mul3A_1242 = arith.muli %select_n3A_1240, %mul3A_1241 : i32
      %multiple_of3A_1243 = tpu.assume_multiple %mul3A_1242, 64 : i32
      %mul3A_1244 = arith.constant 64 : i32
      %mul3A_1245 = arith.muli %add3A_1199, %mul3A_1244 : i32
      %dma_wait3A_1246 = tpu.memref_slice %arg5[%mul3A_1245] : memref<6400xi32, #tpu.memory_space<vmem>> -> memref<64xi32, #tpu.memory_space<vmem>>
      %dma_wait3A_1247 = arith.constant 0 : i32
      %dma_wait3A_1248 = arith.constant 0 : i32
      %dma_wait3A_1249 = tpu.memref_slice %arg3[%dma_wait3A_1247, %dma_wait3A_1248] : memref<100000x128xf32, #tpu.memory_space<hbm>> -> memref<100000x128xf32, #tpu.memory_space<hbm>>
      tpu.wait_indirect_dma semaphore(%arg17 : memref<!tpu.dma_semaphore, #tpu.memory_space<semaphore_mem>>) src(%dma_wait3A_1249 : memref<100000x128xf32, #tpu.memory_space<hbm>>) dst(%arg7 : memref<64x128xf32, #tpu.memory_space<vmem>>)
      %dma_start3A_1250 = arith.constant 0 : i32
      %dma_start3A_1251 = tpu.memref_slice %arg4[%select_n3A_1224, %multiple_of3A_1243, %dma_start3A_1250] : memref<50x4096x128xf32, #tpu.memory_space<hbm>> -> memref<1x64x128xf32, #tpu.memory_space<hbm>>
      %dma_start3A_1252 = tpu.memref_squeeze %dma_start3A_1251 : memref<1x64x128xf32, #tpu.memory_space<hbm>> -> memref<64x128xf32, #tpu.memory_space<hbm>>
      %dma_start3A_1253 = arith.constant 0 : i32
      %dma_start3A_1254 = tpu.memref_slice %arg4[%select_n3A_1224, %multiple_of3A_1243, %dma_start3A_1253] : memref<50x4096x128xf32, #tpu.memory_space<hbm>> -> memref<1x64x128xf32, #tpu.memory_space<hbm>>
      %dma_start3A_1255 = tpu.memref_squeeze %dma_start3A_1254 : memref<1x64x128xf32, #tpu.memory_space<hbm>> -> memref<64x128xf32, #tpu.memory_space<hbm>>
      tpu.enqueue_dma source(%arg7 : memref<64x128xf32, #tpu.memory_space<vmem>>) target(%dma_start3A_1255 : memref<64x128xf32, #tpu.memory_space<hbm>>) target_semaphore(%arg27 : memref<!tpu.dma_semaphore, #tpu.memory_space<semaphore_mem>>)
      %dma_wait3A_1256 = arith.constant 0 : i32
      %dma_wait3A_1257 = tpu.memref_slice %arg4[%select_n3A_1224, %multiple_of3A_1243, %dma_wait3A_1256] : memref<50x4096x128xf32, #tpu.memory_space<hbm>> -> memref<1x64x128xf32, #tpu.memory_space<hbm>>
      %dma_wait3A_1258 = tpu.memref_squeeze %dma_wait3A_1257 : memref<1x64x128xf32, #tpu.memory_space<hbm>> -> memref<64x128xf32, #tpu.memory_space<hbm>>
      %dma_wait3A_1259 = arith.constant 0 : i32
      %dma_wait3A_1260 = tpu.memref_slice %arg4[%select_n3A_1224, %multiple_of3A_1243, %dma_wait3A_1259] : memref<50x4096x128xf32, #tpu.memory_space<hbm>> -> memref<1x64x128xf32, #tpu.memory_space<hbm>>
      %dma_wait3A_1261 = tpu.memref_squeeze %dma_wait3A_1260 : memref<1x64x128xf32, #tpu.memory_space<hbm>> -> memref<64x128xf32, #tpu.memory_space<hbm>>
      tpu.wait_dma2 semaphore(%arg27 : memref<!tpu.dma_semaphore, #tpu.memory_space<semaphore_mem>>) src(%arg7 : memref<64x128xf32, #tpu.memory_space<vmem>>) dst(%dma_wait3A_1261 : memref<64x128xf32, #tpu.memory_space<hbm>>)
      %add3A_1262 = arith.constant 10 : i32
      %add3A_1263 = arith.addi %add3A_1199, %add3A_1262 : i32
      %mul3A_1264 = arith.constant 64 : i32
      %mul3A_1265 = arith.muli %add3A_1263, %mul3A_1264 : i32
      %dma_start3A_1266 = tpu.memref_slice %arg5[%mul3A_1265] : memref<6400xi32, #tpu.memory_space<vmem>> -> memref<64xi32, #tpu.memory_space<vmem>>
      %dma_start3A_1267 = arith.constant 0 : i32
      %dma_start3A_1268 = arith.constant 0 : i32
      %dma_start3A_1269 = tpu.memref_slice %arg3[%dma_start3A_1267, %dma_start3A_1268] : memref<100000x128xf32, #tpu.memory_space<hbm>> -> memref<100000x128xf32, #tpu.memory_space<hbm>>
      tpu.enqueue_indirect_dma source(%dma_start3A_1269 : memref<100000x128xf32, #tpu.memory_space<hbm>>) target(%arg7 : memref<64x128xf32, #tpu.memory_space<vmem>>) offsets(%dma_start3A_1266 : memref<64xi32, #tpu.memory_space<vmem>>) semaphore(%arg17 : memref<!tpu.dma_semaphore, #tpu.memory_space<semaphore_mem>>)
      %mul3A_1270 = arith.constant 10 : i32
      %mul3A_1271 = arith.muli %scan3A_1120, %mul3A_1270 : i32
      %add3A_1272 = arith.constant 2 : i32
      %add3A_1273 = arith.addi %mul3A_1271, %add3A_1272 : i32
      %add3A_1274 = arith.addi %multiple_of3A_5, %add3A_1273 : i32
      %jit3A_1275 = arith.constant 64 : i32
      %div3A_1276 = arith.divsi %add3A_1274, %jit3A_1275 : i32
      %sign3A_1277 = arith.constant 0 : i32
      %sign3A_1278 = arith.cmpi sgt, %add3A_1274, %sign3A_1277 : i32
      %sign3A_1279 = arith.extui %sign3A_1278 : i1 to i32
      %sign3A_1280 = arith.constant 0 : i32
      %sign3A_1281 = arith.cmpi slt, %add3A_1274, %sign3A_1280 : i32
      %sign3A_1282 = arith.extui %sign3A_1281 : i1 to i32
      %sign3A_1283 = arith.subi %sign3A_1279, %sign3A_1282 : i32
      %sign3A_1284 = arith.constant 0 : i32
      %sign3A_1285 = arith.cmpi sgt, %jit3A_1275, %sign3A_1284 : i32
      %sign3A_1286 = arith.extui %sign3A_1285 : i1 to i32
      %sign3A_1287 = arith.constant 0 : i32
      %sign3A_1288 = arith.cmpi slt, %jit3A_1275, %sign3A_1287 : i32
      %sign3A_1289 = arith.extui %sign3A_1288 : i1 to i32
      %sign3A_1290 = arith.subi %sign3A_1286, %sign3A_1289 : i32
      %ne3A_1291 = arith.cmpi ne, %sign3A_1283, %sign3A_1290 : i32
      %rem3A_1292 = arith.remsi %add3A_1274, %jit3A_1275 : i32
      %ne3A_1293 = arith.constant 0 : i32
      %ne3A_1294 = arith.cmpi ne, %rem3A_1292, %ne3A_1293 : i32
      %and3A_1295 = arith.andi %ne3A_1291, %ne3A_1294 : i1
      %sub3A_1296 = arith.constant 1 : i32
      %sub3A_1297 = arith.subi %div3A_1276, %sub3A_1296 : i32
      %select_n3A_1298 = arith.select %and3A_1295, %sub3A_1297, %div3A_1276 : i32
      %jit3A_1299 = arith.constant 64 : i32
      %eq3A_1300 = arith.constant 0 : i32
      %eq3A_1301 = arith.cmpi eq, %jit3A_1299, %eq3A_1300 : i32
      %jit3A_1302 = arith.constant 1 : i32
      %select_n3A_1303 = arith.select %eq3A_1301, %jit3A_1302, %jit3A_1299 : i32
      %rem3A_1304 = arith.remsi %add3A_1274, %select_n3A_1303 : i32
      %ne3A_1305 = arith.constant 0 : i32
      %ne3A_1306 = arith.cmpi ne, %rem3A_1304, %ne3A_1305 : i32
      %lt3A_1307 = arith.constant 0 : i32
      %lt3A_1308 = arith.cmpi slt, %rem3A_1304, %lt3A_1307 : i32
      %lt3A_1309 = arith.constant 0 : i32
      %lt3A_1310 = arith.cmpi slt, %select_n3A_1303, %lt3A_1309 : i32
      %ne3A_1311 = arith.xori %lt3A_1308, %lt3A_1310 : i1
      %and3A_1312 = arith.andi %ne3A_1311, %ne3A_1306 : i1
      %add3A_1313 = arith.addi %rem3A_1304, %select_n3A_1303 : i32
      %select_n3A_1314 = arith.select %and3A_1312, %add3A_1313, %rem3A_1304 : i32
      %mul3A_1315 = arith.constant 64 : i32
      %mul3A_1316 = arith.muli %select_n3A_1314, %mul3A_1315 : i32
      %multiple_of3A_1317 = tpu.assume_multiple %mul3A_1316, 64 : i32
      %mul3A_1318 = arith.constant 64 : i32
      %mul3A_1319 = arith.muli %add3A_1273, %mul3A_1318 : i32
      %dma_wait3A_1320 = tpu.memref_slice %arg5[%mul3A_1319] : memref<6400xi32, #tpu.memory_space<vmem>> -> memref<64xi32, #tpu.memory_space<vmem>>
      %dma_wait3A_1321 = arith.constant 0 : i32
      %dma_wait3A_1322 = arith.constant 0 : i32
      %dma_wait3A_1323 = tpu.memref_slice %arg3[%dma_wait3A_1321, %dma_wait3A_1322] : memref<100000x128xf32, #tpu.memory_space<hbm>> -> memref<100000x128xf32, #tpu.memory_space<hbm>>
      tpu.wait_indirect_dma semaphore(%arg18 : memref<!tpu.dma_semaphore, #tpu.memory_space<semaphore_mem>>) src(%dma_wait3A_1323 : memref<100000x128xf32, #tpu.memory_space<hbm>>) dst(%arg8 : memref<64x128xf32, #tpu.memory_space<vmem>>)
      %dma_start3A_1324 = arith.constant 0 : i32
      %dma_start3A_1325 = tpu.memref_slice %arg4[%select_n3A_1298, %multiple_of3A_1317, %dma_start3A_1324] : memref<50x4096x128xf32, #tpu.memory_space<hbm>> -> memref<1x64x128xf32, #tpu.memory_space<hbm>>
      %dma_start3A_1326 = tpu.memref_squeeze %dma_start3A_1325 : memref<1x64x128xf32, #tpu.memory_space<hbm>> -> memref<64x128xf32, #tpu.memory_space<hbm>>
      %dma_start3A_1327 = arith.constant 0 : i32
      %dma_start3A_1328 = tpu.memref_slice %arg4[%select_n3A_1298, %multiple_of3A_1317, %dma_start3A_1327] : memref<50x4096x128xf32, #tpu.memory_space<hbm>> -> memref<1x64x128xf32, #tpu.memory_space<hbm>>
      %dma_start3A_1329 = tpu.memref_squeeze %dma_start3A_1328 : memref<1x64x128xf32, #tpu.memory_space<hbm>> -> memref<64x128xf32, #tpu.memory_space<hbm>>
      tpu.enqueue_dma source(%arg8 : memref<64x128xf32, #tpu.memory_space<vmem>>) target(%dma_start3A_1329 : memref<64x128xf32, #tpu.memory_space<hbm>>) target_semaphore(%arg28 : memref<!tpu.dma_semaphore, #tpu.memory_space<semaphore_mem>>)
      %dma_wait3A_1330 = arith.constant 0 : i32
      %dma_wait3A_1331 = tpu.memref_slice %arg4[%select_n3A_1298, %multiple_of3A_1317, %dma_wait3A_1330] : memref<50x4096x128xf32, #tpu.memory_space<hbm>> -> memref<1x64x128xf32, #tpu.memory_space<hbm>>
      %dma_wait3A_1332 = tpu.memref_squeeze %dma_wait3A_1331 : memref<1x64x128xf32, #tpu.memory_space<hbm>> -> memref<64x128xf32, #tpu.memory_space<hbm>>
      %dma_wait3A_1333 = arith.constant 0 : i32
      %dma_wait3A_1334 = tpu.memref_slice %arg4[%select_n3A_1298, %multiple_of3A_1317, %dma_wait3A_1333] : memref<50x4096x128xf32, #tpu.memory_space<hbm>> -> memref<1x64x128xf32, #tpu.memory_space<hbm>>
      %dma_wait3A_1335 = tpu.memref_squeeze %dma_wait3A_1334 : memref<1x64x128xf32, #tpu.memory_space<hbm>> -> memref<64x128xf32, #tpu.memory_space<hbm>>
      tpu.wait_dma2 semaphore(%arg28 : memref<!tpu.dma_semaphore, #tpu.memory_space<semaphore_mem>>) src(%arg8 : memref<64x128xf32, #tpu.memory_space<vmem>>) dst(%dma_wait3A_1335 : memref<64x128xf32, #tpu.memory_space<hbm>>)
      %add3A_1336 = arith.constant 10 : i32
      %add3A_1337 = arith.addi %add3A_1273, %add3A_1336 : i32
      %mul3A_1338 = arith.constant 64 : i32
      %mul3A_1339 = arith.muli %add3A_1337, %mul3A_1338 : i32
      %dma_start3A_1340 = tpu.memref_slice %arg5[%mul3A_1339] : memref<6400xi32, #tpu.memory_space<vmem>> -> memref<64xi32, #tpu.memory_space<vmem>>
      %dma_start3A_1341 = arith.constant 0 : i32
      %dma_start3A_1342 = arith.constant 0 : i32
      %dma_start3A_1343 = tpu.memref_slice %arg3[%dma_start3A_1341, %dma_start3A_1342] : memref<100000x128xf32, #tpu.memory_space<hbm>> -> memref<100000x128xf32, #tpu.memory_space<hbm>>
      tpu.enqueue_indirect_dma source(%dma_start3A_1343 : memref<100000x128xf32, #tpu.memory_space<hbm>>) target(%arg8 : memref<64x128xf32, #tpu.memory_space<vmem>>) offsets(%dma_start3A_1340 : memref<64xi32, #tpu.memory_space<vmem>>) semaphore(%arg18 : memref<!tpu.dma_semaphore, #tpu.memory_space<semaphore_mem>>)
      %mul3A_1344 = arith.constant 10 : i32
      %mul3A_1345 = arith.muli %scan3A_1120, %mul3A_1344 : i32
      %add3A_1346 = arith.constant 3 : i32
      %add3A_1347 = arith.addi %mul3A_1345, %add3A_1346 : i32
      %add3A_1348 = arith.addi %multiple_of3A_5, %add3A_1347 : i32
      %jit3A_1349 = arith.constant 64 : i32
      %div3A_1350 = arith.divsi %add3A_1348, %jit3A_1349 : i32
      %sign3A_1351 = arith.constant 0 : i32
      %sign3A_1352 = arith.cmpi sgt, %add3A_1348, %sign3A_1351 : i32
      %sign3A_1353 = arith.extui %sign3A_1352 : i1 to i32
      %sign3A_1354 = arith.constant 0 : i32
      %sign3A_1355 = arith.cmpi slt, %add3A_1348, %sign3A_1354 : i32
      %sign3A_1356 = arith.extui %sign3A_1355 : i1 to i32
      %sign3A_1357 = arith.subi %sign3A_1353, %sign3A_1356 : i32
      %sign3A_1358 = arith.constant 0 : i32
      %sign3A_1359 = arith.cmpi sgt, %jit3A_1349, %sign3A_1358 : i32
      %sign3A_1360 = arith.extui %sign3A_1359 : i1 to i32
      %sign3A_1361 = arith.constant 0 : i32
      %sign3A_1362 = arith.cmpi slt, %jit3A_1349, %sign3A_1361 : i32
      %sign3A_1363 = arith.extui %sign3A_1362 : i1 to i32
      %sign3A_1364 = arith.subi %sign3A_1360, %sign3A_1363 : i32
      %ne3A_1365 = arith.cmpi ne, %sign3A_1357, %sign3A_1364 : i32
      %rem3A_1366 = arith.remsi %add3A_1348, %jit3A_1349 : i32
      %ne3A_1367 = arith.constant 0 : i32
      %ne3A_1368 = arith.cmpi ne, %rem3A_1366, %ne3A_1367 : i32
      %and3A_1369 = arith.andi %ne3A_1365, %ne3A_1368 : i1
      %sub3A_1370 = arith.constant 1 : i32
      %sub3A_1371 = arith.subi %div3A_1350, %sub3A_1370 : i32
      %select_n3A_1372 = arith.select %and3A_1369, %sub3A_1371, %div3A_1350 : i32
      %jit3A_1373 = arith.constant 64 : i32
      %eq3A_1374 = arith.constant 0 : i32
      %eq3A_1375 = arith.cmpi eq, %jit3A_1373, %eq3A_1374 : i32
      %jit3A_1376 = arith.constant 1 : i32
      %select_n3A_1377 = arith.select %eq3A_1375, %jit3A_1376, %jit3A_1373 : i32
      %rem3A_1378 = arith.remsi %add3A_1348, %select_n3A_1377 : i32
      %ne3A_1379 = arith.constant 0 : i32
      %ne3A_1380 = arith.cmpi ne, %rem3A_1378, %ne3A_1379 : i32
      %lt3A_1381 = arith.constant 0 : i32
      %lt3A_1382 = arith.cmpi slt, %rem3A_1378, %lt3A_1381 : i32
      %lt3A_1383 = arith.constant 0 : i32
      %lt3A_1384 = arith.cmpi slt, %select_n3A_1377, %lt3A_1383 : i32
      %ne3A_1385 = arith.xori %lt3A_1382, %lt3A_1384 : i1
      %and3A_1386 = arith.andi %ne3A_1385, %ne3A_1380 : i1
      %add3A_1387 = arith.addi %rem3A_1378, %select_n3A_1377 : i32
      %select_n3A_1388 = arith.select %and3A_1386, %add3A_1387, %rem3A_1378 : i32
      %mul3A_1389 = arith.constant 64 : i32
      %mul3A_1390 = arith.muli %select_n3A_1388, %mul3A_1389 : i32
      %multiple_of3A_1391 = tpu.assume_multiple %mul3A_1390, 64 : i32
      %mul3A_1392 = arith.constant 64 : i32
      %mul3A_1393 = arith.muli %add3A_1347, %mul3A_1392 : i32
      %dma_wait3A_1394 = tpu.memref_slice %arg5[%mul3A_1393] : memref<6400xi32, #tpu.memory_space<vmem>> -> memref<64xi32, #tpu.memory_space<vmem>>
      %dma_wait3A_1395 = arith.constant 0 : i32
      %dma_wait3A_1396 = arith.constant 0 : i32
      %dma_wait3A_1397 = tpu.memref_slice %arg3[%dma_wait3A_1395, %dma_wait3A_1396] : memref<100000x128xf32, #tpu.memory_space<hbm>> -> memref<100000x128xf32, #tpu.memory_space<hbm>>
      tpu.wait_indirect_dma semaphore(%arg19 : memref<!tpu.dma_semaphore, #tpu.memory_space<semaphore_mem>>) src(%dma_wait3A_1397 : memref<100000x128xf32, #tpu.memory_space<hbm>>) dst(%arg9 : memref<64x128xf32, #tpu.memory_space<vmem>>)
      %dma_start3A_1398 = arith.constant 0 : i32
      %dma_start3A_1399 = tpu.memref_slice %arg4[%select_n3A_1372, %multiple_of3A_1391, %dma_start3A_1398] : memref<50x4096x128xf32, #tpu.memory_space<hbm>> -> memref<1x64x128xf32, #tpu.memory_space<hbm>>
      %dma_start3A_1400 = tpu.memref_squeeze %dma_start3A_1399 : memref<1x64x128xf32, #tpu.memory_space<hbm>> -> memref<64x128xf32, #tpu.memory_space<hbm>>
      %dma_start3A_1401 = arith.constant 0 : i32
      %dma_start3A_1402 = tpu.memref_slice %arg4[%select_n3A_1372, %multiple_of3A_1391, %dma_start3A_1401] : memref<50x4096x128xf32, #tpu.memory_space<hbm>> -> memref<1x64x128xf32, #tpu.memory_space<hbm>>
      %dma_start3A_1403 = tpu.memref_squeeze %dma_start3A_1402 : memref<1x64x128xf32, #tpu.memory_space<hbm>> -> memref<64x128xf32, #tpu.memory_space<hbm>>
      tpu.enqueue_dma source(%arg9 : memref<64x128xf32, #tpu.memory_space<vmem>>) target(%dma_start3A_1403 : memref<64x128xf32, #tpu.memory_space<hbm>>) target_semaphore(%arg29 : memref<!tpu.dma_semaphore, #tpu.memory_space<semaphore_mem>>)
      %dma_wait3A_1404 = arith.constant 0 : i32
      %dma_wait3A_1405 = tpu.memref_slice %arg4[%select_n3A_1372, %multiple_of3A_1391, %dma_wait3A_1404] : memref<50x4096x128xf32, #tpu.memory_space<hbm>> -> memref<1x64x128xf32, #tpu.memory_space<hbm>>
      %dma_wait3A_1406 = tpu.memref_squeeze %dma_wait3A_1405 : memref<1x64x128xf32, #tpu.memory_space<hbm>> -> memref<64x128xf32, #tpu.memory_space<hbm>>
      %dma_wait3A_1407 = arith.constant 0 : i32
      %dma_wait3A_1408 = tpu.memref_slice %arg4[%select_n3A_1372, %multiple_of3A_1391, %dma_wait3A_1407] : memref<50x4096x128xf32, #tpu.memory_space<hbm>> -> memref<1x64x128xf32, #tpu.memory_space<hbm>>
      %dma_wait3A_1409 = tpu.memref_squeeze %dma_wait3A_1408 : memref<1x64x128xf32, #tpu.memory_space<hbm>> -> memref<64x128xf32, #tpu.memory_space<hbm>>
      tpu.wait_dma2 semaphore(%arg29 : memref<!tpu.dma_semaphore, #tpu.memory_space<semaphore_mem>>) src(%arg9 : memref<64x128xf32, #tpu.memory_space<vmem>>) dst(%dma_wait3A_1409 : memref<64x128xf32, #tpu.memory_space<hbm>>)
      %add3A_1410 = arith.constant 10 : i32
      %add3A_1411 = arith.addi %add3A_1347, %add3A_1410 : i32
      %mul3A_1412 = arith.constant 64 : i32
      %mul3A_1413 = arith.muli %add3A_1411, %mul3A_1412 : i32
      %dma_start3A_1414 = tpu.memref_slice %arg5[%mul3A_1413] : memref<6400xi32, #tpu.memory_space<vmem>> -> memref<64xi32, #tpu.memory_space<vmem>>
      %dma_start3A_1415 = arith.constant 0 : i32
      %dma_start3A_1416 = arith.constant 0 : i32
      %dma_start3A_1417 = tpu.memref_slice %arg3[%dma_start3A_1415, %dma_start3A_1416] : memref<100000x128xf32, #tpu.memory_space<hbm>> -> memref<100000x128xf32, #tpu.memory_space<hbm>>
      tpu.enqueue_indirect_dma source(%dma_start3A_1417 : memref<100000x128xf32, #tpu.memory_space<hbm>>) target(%arg9 : memref<64x128xf32, #tpu.memory_space<vmem>>) offsets(%dma_start3A_1414 : memref<64xi32, #tpu.memory_space<vmem>>) semaphore(%arg19 : memref<!tpu.dma_semaphore, #tpu.memory_space<semaphore_mem>>)
      %mul3A_1418 = arith.constant 10 : i32
      %mul3A_1419 = arith.muli %scan3A_1120, %mul3A_1418 : i32
      %add3A_1420 = arith.constant 4 : i32
      %add3A_1421 = arith.addi %mul3A_1419, %add3A_1420 : i32
      %add3A_1422 = arith.addi %multiple_of3A_5, %add3A_1421 : i32
      %jit3A_1423 = arith.constant 64 : i32
      %div3A_1424 = arith.divsi %add3A_1422, %jit3A_1423 : i32
      %sign3A_1425 = arith.constant 0 : i32
      %sign3A_1426 = arith.cmpi sgt, %add3A_1422, %sign3A_1425 : i32
      %sign3A_1427 = arith.extui %sign3A_1426 : i1 to i32
      %sign3A_1428 = arith.constant 0 : i32
      %sign3A_1429 = arith.cmpi slt, %add3A_1422, %sign3A_1428 : i32
      %sign3A_1430 = arith.extui %sign3A_1429 : i1 to i32
      %sign3A_1431 = arith.subi %sign3A_1427, %sign3A_1430 : i32
      %sign3A_1432 = arith.constant 0 : i32
      %sign3A_1433 = arith.cmpi sgt, %jit3A_1423, %sign3A_1432 : i32
      %sign3A_1434 = arith.extui %sign3A_1433 : i1 to i32
      %sign3A_1435 = arith.constant 0 : i32
      %sign3A_1436 = arith.cmpi slt, %jit3A_1423, %sign3A_1435 : i32
      %sign3A_1437 = arith.extui %sign3A_1436 : i1 to i32
      %sign3A_1438 = arith.subi %sign3A_1434, %sign3A_1437 : i32
      %ne3A_1439 = arith.cmpi ne, %sign3A_1431, %sign3A_1438 : i32
      %rem3A_1440 = arith.remsi %add3A_1422, %jit3A_1423 : i32
      %ne3A_1441 = arith.constant 0 : i32
      %ne3A_1442 = arith.cmpi ne, %rem3A_1440, %ne3A_1441 : i32
      %and3A_1443 = arith.andi %ne3A_1439, %ne3A_1442 : i1
      %sub3A_1444 = arith.constant 1 : i32
      %sub3A_1445 = arith.subi %div3A_1424, %sub3A_1444 : i32
      %select_n3A_1446 = arith.select %and3A_1443, %sub3A_1445, %div3A_1424 : i32
      %jit3A_1447 = arith.constant 64 : i32
      %eq3A_1448 = arith.constant 0 : i32
      %eq3A_1449 = arith.cmpi eq, %jit3A_1447, %eq3A_1448 : i32
      %jit3A_1450 = arith.constant 1 : i32
      %select_n3A_1451 = arith.select %eq3A_1449, %jit3A_1450, %jit3A_1447 : i32
      %rem3A_1452 = arith.remsi %add3A_1422, %select_n3A_1451 : i32
      %ne3A_1453 = arith.constant 0 : i32
      %ne3A_1454 = arith.cmpi ne, %rem3A_1452, %ne3A_1453 : i32
      %lt3A_1455 = arith.constant 0 : i32
      %lt3A_1456 = arith.cmpi slt, %rem3A_1452, %lt3A_1455 : i32
      %lt3A_1457 = arith.constant 0 : i32
      %lt3A_1458 = arith.cmpi slt, %select_n3A_1451, %lt3A_1457 : i32
      %ne3A_1459 = arith.xori %lt3A_1456, %lt3A_1458 : i1
      %and3A_1460 = arith.andi %ne3A_1459, %ne3A_1454 : i1
      %add3A_1461 = arith.addi %rem3A_1452, %select_n3A_1451 : i32
      %select_n3A_1462 = arith.select %and3A_1460, %add3A_1461, %rem3A_1452 : i32
      %mul3A_1463 = arith.constant 64 : i32
      %mul3A_1464 = arith.muli %select_n3A_1462, %mul3A_1463 : i32
      %multiple_of3A_1465 = tpu.assume_multiple %mul3A_1464, 64 : i32
      %mul3A_1466 = arith.constant 64 : i32
      %mul3A_1467 = arith.muli %add3A_1421, %mul3A_1466 : i32
      %dma_wait3A_1468 = tpu.memref_slice %arg5[%mul3A_1467] : memref<6400xi32, #tpu.memory_space<vmem>> -> memref<64xi32, #tpu.memory_space<vmem>>
      %dma_wait3A_1469 = arith.constant 0 : i32
      %dma_wait3A_1470 = arith.constant 0 : i32
      %dma_wait3A_1471 = tpu.memref_slice %arg3[%dma_wait3A_1469, %dma_wait3A_1470] : memref<100000x128xf32, #tpu.memory_space<hbm>> -> memref<100000x128xf32, #tpu.memory_space<hbm>>
      tpu.wait_indirect_dma semaphore(%arg20 : memref<!tpu.dma_semaphore, #tpu.memory_space<semaphore_mem>>) src(%dma_wait3A_1471 : memref<100000x128xf32, #tpu.memory_space<hbm>>) dst(%arg10 : memref<64x128xf32, #tpu.memory_space<vmem>>)
      %dma_start3A_1472 = arith.constant 0 : i32
      %dma_start3A_1473 = tpu.memref_slice %arg4[%select_n3A_1446, %multiple_of3A_1465, %dma_start3A_1472] : memref<50x4096x128xf32, #tpu.memory_space<hbm>> -> memref<1x64x128xf32, #tpu.memory_space<hbm>>
      %dma_start3A_1474 = tpu.memref_squeeze %dma_start3A_1473 : memref<1x64x128xf32, #tpu.memory_space<hbm>> -> memref<64x128xf32, #tpu.memory_space<hbm>>
      %dma_start3A_1475 = arith.constant 0 : i32
      %dma_start3A_1476 = tpu.memref_slice %arg4[%select_n3A_1446, %multiple_of3A_1465, %dma_start3A_1475] : memref<50x4096x128xf32, #tpu.memory_space<hbm>> -> memref<1x64x128xf32, #tpu.memory_space<hbm>>
      %dma_start3A_1477 = tpu.memref_squeeze %dma_start3A_1476 : memref<1x64x128xf32, #tpu.memory_space<hbm>> -> memref<64x128xf32, #tpu.memory_space<hbm>>
      tpu.enqueue_dma source(%arg10 : memref<64x128xf32, #tpu.memory_space<vmem>>) target(%dma_start3A_1477 : memref<64x128xf32, #tpu.memory_space<hbm>>) target_semaphore(%arg30 : memref<!tpu.dma_semaphore, #tpu.memory_space<semaphore_mem>>)
      %dma_wait3A_1478 = arith.constant 0 : i32
      %dma_wait3A_1479 = tpu.memref_slice %arg4[%select_n3A_1446, %multiple_of3A_1465, %dma_wait3A_1478] : memref<50x4096x128xf32, #tpu.memory_space<hbm>> -> memref<1x64x128xf32, #tpu.memory_space<hbm>>
      %dma_wait3A_1480 = tpu.memref_squeeze %dma_wait3A_1479 : memref<1x64x128xf32, #tpu.memory_space<hbm>> -> memref<64x128xf32, #tpu.memory_space<hbm>>
      %dma_wait3A_1481 = arith.constant 0 : i32
      %dma_wait3A_1482 = tpu.memref_slice %arg4[%select_n3A_1446, %multiple_of3A_1465, %dma_wait3A_1481] : memref<50x4096x128xf32, #tpu.memory_space<hbm>> -> memref<1x64x128xf32, #tpu.memory_space<hbm>>
      %dma_wait3A_1483 = tpu.memref_squeeze %dma_wait3A_1482 : memref<1x64x128xf32, #tpu.memory_space<hbm>> -> memref<64x128xf32, #tpu.memory_space<hbm>>
      tpu.wait_dma2 semaphore(%arg30 : memref<!tpu.dma_semaphore, #tpu.memory_space<semaphore_mem>>) src(%arg10 : memref<64x128xf32, #tpu.memory_space<vmem>>) dst(%dma_wait3A_1483 : memref<64x128xf32, #tpu.memory_space<hbm>>)
      %add3A_1484 = arith.constant 10 : i32
      %add3A_1485 = arith.addi %add3A_1421, %add3A_1484 : i32
      %mul3A_1486 = arith.constant 64 : i32
      %mul3A_1487 = arith.muli %add3A_1485, %mul3A_1486 : i32
      %dma_start3A_1488 = tpu.memref_slice %arg5[%mul3A_1487] : memref<6400xi32, #tpu.memory_space<vmem>> -> memref<64xi32, #tpu.memory_space<vmem>>
      %dma_start3A_1489 = arith.constant 0 : i32
      %dma_start3A_1490 = arith.constant 0 : i32
      %dma_start3A_1491 = tpu.memref_slice %arg3[%dma_start3A_1489, %dma_start3A_1490] : memref<100000x128xf32, #tpu.memory_space<hbm>> -> memref<100000x128xf32, #tpu.memory_space<hbm>>
      tpu.enqueue_indirect_dma source(%dma_start3A_1491 : memref<100000x128xf32, #tpu.memory_space<hbm>>) target(%arg10 : memref<64x128xf32, #tpu.memory_space<vmem>>) offsets(%dma_start3A_1488 : memref<64xi32, #tpu.memory_space<vmem>>) semaphore(%arg20 : memref<!tpu.dma_semaphore, #tpu.memory_space<semaphore_mem>>)
      %mul3A_1492 = arith.constant 10 : i32
      %mul3A_1493 = arith.muli %scan3A_1120, %mul3A_1492 : i32
      %add3A_1494 = arith.constant 5 : i32
      %add3A_1495 = arith.addi %mul3A_1493, %add3A_1494 : i32
      %add3A_1496 = arith.addi %multiple_of3A_5, %add3A_1495 : i32
      %jit3A_1497 = arith.constant 64 : i32
      %div3A_1498 = arith.divsi %add3A_1496, %jit3A_1497 : i32
      %sign3A_1499 = arith.constant 0 : i32
      %sign3A_1500 = arith.cmpi sgt, %add3A_1496, %sign3A_1499 : i32
      %sign3A_1501 = arith.extui %sign3A_1500 : i1 to i32
      %sign3A_1502 = arith.constant 0 : i32
      %sign3A_1503 = arith.cmpi slt, %add3A_1496, %sign3A_1502 : i32
      %sign3A_1504 = arith.extui %sign3A_1503 : i1 to i32
      %sign3A_1505 = arith.subi %sign3A_1501, %sign3A_1504 : i32
      %sign3A_1506 = arith.constant 0 : i32
      %sign3A_1507 = arith.cmpi sgt, %jit3A_1497, %sign3A_1506 : i32
      %sign3A_1508 = arith.extui %sign3A_1507 : i1 to i32
      %sign3A_1509 = arith.constant 0 : i32
      %sign3A_1510 = arith.cmpi slt, %jit3A_1497, %sign3A_1509 : i32
      %sign3A_1511 = arith.extui %sign3A_1510 : i1 to i32
      %sign3A_1512 = arith.subi %sign3A_1508, %sign3A_1511 : i32
      %ne3A_1513 = arith.cmpi ne, %sign3A_1505, %sign3A_1512 : i32
      %rem3A_1514 = arith.remsi %add3A_1496, %jit3A_1497 : i32
      %ne3A_1515 = arith.constant 0 : i32
      %ne3A_1516 = arith.cmpi ne, %rem3A_1514, %ne3A_1515 : i32
      %and3A_1517 = arith.andi %ne3A_1513, %ne3A_1516 : i1
      %sub3A_1518 = arith.constant 1 : i32
      %sub3A_1519 = arith.subi %div3A_1498, %sub3A_1518 : i32
      %select_n3A_1520 = arith.select %and3A_1517, %sub3A_1519, %div3A_1498 : i32
      %jit3A_1521 = arith.constant 64 : i32
      %eq3A_1522 = arith.constant 0 : i32
      %eq3A_1523 = arith.cmpi eq, %jit3A_1521, %eq3A_1522 : i32
      %jit3A_1524 = arith.constant 1 : i32
      %select_n3A_1525 = arith.select %eq3A_1523, %jit3A_1524, %jit3A_1521 : i32
      %rem3A_1526 = arith.remsi %add3A_1496, %select_n3A_1525 : i32
      %ne3A_1527 = arith.constant 0 : i32
      %ne3A_1528 = arith.cmpi ne, %rem3A_1526, %ne3A_1527 : i32
      %lt3A_1529 = arith.constant 0 : i32
      %lt3A_1530 = arith.cmpi slt, %rem3A_1526, %lt3A_1529 : i32
      %lt3A_1531 = arith.constant 0 : i32
      %lt3A_1532 = arith.cmpi slt, %select_n3A_1525, %lt3A_1531 : i32
      %ne3A_1533 = arith.xori %lt3A_1530, %lt3A_1532 : i1
      %and3A_1534 = arith.andi %ne3A_1533, %ne3A_1528 : i1
      %add3A_1535 = arith.addi %rem3A_1526, %select_n3A_1525 : i32
      %select_n3A_1536 = arith.select %and3A_1534, %add3A_1535, %rem3A_1526 : i32
      %mul3A_1537 = arith.constant 64 : i32
      %mul3A_1538 = arith.muli %select_n3A_1536, %mul3A_1537 : i32
      %multiple_of3A_1539 = tpu.assume_multiple %mul3A_1538, 64 : i32
      %mul3A_1540 = arith.constant 64 : i32
      %mul3A_1541 = arith.muli %add3A_1495, %mul3A_1540 : i32
      %dma_wait3A_1542 = tpu.memref_slice %arg5[%mul3A_1541] : memref<6400xi32, #tpu.memory_space<vmem>> -> memref<64xi32, #tpu.memory_space<vmem>>
      %dma_wait3A_1543 = arith.constant 0 : i32
      %dma_wait3A_1544 = arith.constant 0 : i32
      %dma_wait3A_1545 = tpu.memref_slice %arg3[%dma_wait3A_1543, %dma_wait3A_1544] : memref<100000x128xf32, #tpu.memory_space<hbm>> -> memref<100000x128xf32, #tpu.memory_space<hbm>>
      tpu.wait_indirect_dma semaphore(%arg21 : memref<!tpu.dma_semaphore, #tpu.memory_space<semaphore_mem>>) src(%dma_wait3A_1545 : memref<100000x128xf32, #tpu.memory_space<hbm>>) dst(%arg11 : memref<64x128xf32, #tpu.memory_space<vmem>>)
      %dma_start3A_1546 = arith.constant 0 : i32
      %dma_start3A_1547 = tpu.memref_slice %arg4[%select_n3A_1520, %multiple_of3A_1539, %dma_start3A_1546] : memref<50x4096x128xf32, #tpu.memory_space<hbm>> -> memref<1x64x128xf32, #tpu.memory_space<hbm>>
      %dma_start3A_1548 = tpu.memref_squeeze %dma_start3A_1547 : memref<1x64x128xf32, #tpu.memory_space<hbm>> -> memref<64x128xf32, #tpu.memory_space<hbm>>
      %dma_start3A_1549 = arith.constant 0 : i32
      %dma_start3A_1550 = tpu.memref_slice %arg4[%select_n3A_1520, %multiple_of3A_1539, %dma_start3A_1549] : memref<50x4096x128xf32, #tpu.memory_space<hbm>> -> memref<1x64x128xf32, #tpu.memory_space<hbm>>
      %dma_start3A_1551 = tpu.memref_squeeze %dma_start3A_1550 : memref<1x64x128xf32, #tpu.memory_space<hbm>> -> memref<64x128xf32, #tpu.memory_space<hbm>>
      tpu.enqueue_dma source(%arg11 : memref<64x128xf32, #tpu.memory_space<vmem>>) target(%dma_start3A_1551 : memref<64x128xf32, #tpu.memory_space<hbm>>) target_semaphore(%arg31 : memref<!tpu.dma_semaphore, #tpu.memory_space<semaphore_mem>>)
      %dma_wait3A_1552 = arith.constant 0 : i32
      %dma_wait3A_1553 = tpu.memref_slice %arg4[%select_n3A_1520, %multiple_of3A_1539, %dma_wait3A_1552] : memref<50x4096x128xf32, #tpu.memory_space<hbm>> -> memref<1x64x128xf32, #tpu.memory_space<hbm>>
      %dma_wait3A_1554 = tpu.memref_squeeze %dma_wait3A_1553 : memref<1x64x128xf32, #tpu.memory_space<hbm>> -> memref<64x128xf32, #tpu.memory_space<hbm>>
      %dma_wait3A_1555 = arith.constant 0 : i32
      %dma_wait3A_1556 = tpu.memref_slice %arg4[%select_n3A_1520, %multiple_of3A_1539, %dma_wait3A_1555] : memref<50x4096x128xf32, #tpu.memory_space<hbm>> -> memref<1x64x128xf32, #tpu.memory_space<hbm>>
      %dma_wait3A_1557 = tpu.memref_squeeze %dma_wait3A_1556 : memref<1x64x128xf32, #tpu.memory_space<hbm>> -> memref<64x128xf32, #tpu.memory_space<hbm>>
      tpu.wait_dma2 semaphore(%arg31 : memref<!tpu.dma_semaphore, #tpu.memory_space<semaphore_mem>>) src(%arg11 : memref<64x128xf32, #tpu.memory_space<vmem>>) dst(%dma_wait3A_1557 : memref<64x128xf32, #tpu.memory_space<hbm>>)
      %add3A_1558 = arith.constant 10 : i32
      %add3A_1559 = arith.addi %add3A_1495, %add3A_1558 : i32
      %mul3A_1560 = arith.constant 64 : i32
      %mul3A_1561 = arith.muli %add3A_1559, %mul3A_1560 : i32
      %dma_start3A_1562 = tpu.memref_slice %arg5[%mul3A_1561] : memref<6400xi32, #tpu.memory_space<vmem>> -> memref<64xi32, #tpu.memory_space<vmem>>
      %dma_start3A_1563 = arith.constant 0 : i32
      %dma_start3A_1564 = arith.constant 0 : i32
      %dma_start3A_1565 = tpu.memref_slice %arg3[%dma_start3A_1563, %dma_start3A_1564] : memref<100000x128xf32, #tpu.memory_space<hbm>> -> memref<100000x128xf32, #tpu.memory_space<hbm>>
      tpu.enqueue_indirect_dma source(%dma_start3A_1565 : memref<100000x128xf32, #tpu.memory_space<hbm>>) target(%arg11 : memref<64x128xf32, #tpu.memory_space<vmem>>) offsets(%dma_start3A_1562 : memref<64xi32, #tpu.memory_space<vmem>>) semaphore(%arg21 : memref<!tpu.dma_semaphore, #tpu.memory_space<semaphore_mem>>)
      %mul3A_1566 = arith.constant 10 : i32
      %mul3A_1567 = arith.muli %scan3A_1120, %mul3A_1566 : i32
      %add3A_1568 = arith.constant 6 : i32
      %add3A_1569 = arith.addi %mul3A_1567, %add3A_1568 : i32
      %add3A_1570 = arith.addi %multiple_of3A_5, %add3A_1569 : i32
      %jit3A_1571 = arith.constant 64 : i32
      %div3A_1572 = arith.divsi %add3A_1570, %jit3A_1571 : i32
      %sign3A_1573 = arith.constant 0 : i32
      %sign3A_1574 = arith.cmpi sgt, %add3A_1570, %sign3A_1573 : i32
      %sign3A_1575 = arith.extui %sign3A_1574 : i1 to i32
      %sign3A_1576 = arith.constant 0 : i32
      %sign3A_1577 = arith.cmpi slt, %add3A_1570, %sign3A_1576 : i32
      %sign3A_1578 = arith.extui %sign3A_1577 : i1 to i32
      %sign3A_1579 = arith.subi %sign3A_1575, %sign3A_1578 : i32
      %sign3A_1580 = arith.constant 0 : i32
      %sign3A_1581 = arith.cmpi sgt, %jit3A_1571, %sign3A_1580 : i32
      %sign3A_1582 = arith.extui %sign3A_1581 : i1 to i32
      %sign3A_1583 = arith.constant 0 : i32
      %sign3A_1584 = arith.cmpi slt, %jit3A_1571, %sign3A_1583 : i32
      %sign3A_1585 = arith.extui %sign3A_1584 : i1 to i32
      %sign3A_1586 = arith.subi %sign3A_1582, %sign3A_1585 : i32
      %ne3A_1587 = arith.cmpi ne, %sign3A_1579, %sign3A_1586 : i32
      %rem3A_1588 = arith.remsi %add3A_1570, %jit3A_1571 : i32
      %ne3A_1589 = arith.constant 0 : i32
      %ne3A_1590 = arith.cmpi ne, %rem3A_1588, %ne3A_1589 : i32
      %and3A_1591 = arith.andi %ne3A_1587, %ne3A_1590 : i1
      %sub3A_1592 = arith.constant 1 : i32
      %sub3A_1593 = arith.subi %div3A_1572, %sub3A_1592 : i32
      %select_n3A_1594 = arith.select %and3A_1591, %sub3A_1593, %div3A_1572 : i32
      %jit3A_1595 = arith.constant 64 : i32
      %eq3A_1596 = arith.constant 0 : i32
      %eq3A_1597 = arith.cmpi eq, %jit3A_1595, %eq3A_1596 : i32
      %jit3A_1598 = arith.constant 1 : i32
      %select_n3A_1599 = arith.select %eq3A_1597, %jit3A_1598, %jit3A_1595 : i32
      %rem3A_1600 = arith.remsi %add3A_1570, %select_n3A_1599 : i32
      %ne3A_1601 = arith.constant 0 : i32
      %ne3A_1602 = arith.cmpi ne, %rem3A_1600, %ne3A_1601 : i32
      %lt3A_1603 = arith.constant 0 : i32
      %lt3A_1604 = arith.cmpi slt, %rem3A_1600, %lt3A_1603 : i32
      %lt3A_1605 = arith.constant 0 : i32
      %lt3A_1606 = arith.cmpi slt, %select_n3A_1599, %lt3A_1605 : i32
      %ne3A_1607 = arith.xori %lt3A_1604, %lt3A_1606 : i1
      %and3A_1608 = arith.andi %ne3A_1607, %ne3A_1602 : i1
      %add3A_1609 = arith.addi %rem3A_1600, %select_n3A_1599 : i32
      %select_n3A_1610 = arith.select %and3A_1608, %add3A_1609, %rem3A_1600 : i32
      %mul3A_1611 = arith.constant 64 : i32
      %mul3A_1612 = arith.muli %select_n3A_1610, %mul3A_1611 : i32
      %multiple_of3A_1613 = tpu.assume_multiple %mul3A_1612, 64 : i32
      %mul3A_1614 = arith.constant 64 : i32
      %mul3A_1615 = arith.muli %add3A_1569, %mul3A_1614 : i32
      %dma_wait3A_1616 = tpu.memref_slice %arg5[%mul3A_1615] : memref<6400xi32, #tpu.memory_space<vmem>> -> memref<64xi32, #tpu.memory_space<vmem>>
      %dma_wait3A_1617 = arith.constant 0 : i32
      %dma_wait3A_1618 = arith.constant 0 : i32
      %dma_wait3A_1619 = tpu.memref_slice %arg3[%dma_wait3A_1617, %dma_wait3A_1618] : memref<100000x128xf32, #tpu.memory_space<hbm>> -> memref<100000x128xf32, #tpu.memory_space<hbm>>
      tpu.wait_indirect_dma semaphore(%arg22 : memref<!tpu.dma_semaphore, #tpu.memory_space<semaphore_mem>>) src(%dma_wait3A_1619 : memref<100000x128xf32, #tpu.memory_space<hbm>>) dst(%arg12 : memref<64x128xf32, #tpu.memory_space<vmem>>)
      %dma_start3A_1620 = arith.constant 0 : i32
      %dma_start3A_1621 = tpu.memref_slice %arg4[%select_n3A_1594, %multiple_of3A_1613, %dma_start3A_1620] : memref<50x4096x128xf32, #tpu.memory_space<hbm>> -> memref<1x64x128xf32, #tpu.memory_space<hbm>>
      %dma_start3A_1622 = tpu.memref_squeeze %dma_start3A_1621 : memref<1x64x128xf32, #tpu.memory_space<hbm>> -> memref<64x128xf32, #tpu.memory_space<hbm>>
      %dma_start3A_1623 = arith.constant 0 : i32
      %dma_start3A_1624 = tpu.memref_slice %arg4[%select_n3A_1594, %multiple_of3A_1613, %dma_start3A_1623] : memref<50x4096x128xf32, #tpu.memory_space<hbm>> -> memref<1x64x128xf32, #tpu.memory_space<hbm>>
      %dma_start3A_1625 = tpu.memref_squeeze %dma_start3A_1624 : memref<1x64x128xf32, #tpu.memory_space<hbm>> -> memref<64x128xf32, #tpu.memory_space<hbm>>
      tpu.enqueue_dma source(%arg12 : memref<64x128xf32, #tpu.memory_space<vmem>>) target(%dma_start3A_1625 : memref<64x128xf32, #tpu.memory_space<hbm>>) target_semaphore(%arg32 : memref<!tpu.dma_semaphore, #tpu.memory_space<semaphore_mem>>)
      %dma_wait3A_1626 = arith.constant 0 : i32
      %dma_wait3A_1627 = tpu.memref_slice %arg4[%select_n3A_1594, %multiple_of3A_1613, %dma_wait3A_1626] : memref<50x4096x128xf32, #tpu.memory_space<hbm>> -> memref<1x64x128xf32, #tpu.memory_space<hbm>>
      %dma_wait3A_1628 = tpu.memref_squeeze %dma_wait3A_1627 : memref<1x64x128xf32, #tpu.memory_space<hbm>> -> memref<64x128xf32, #tpu.memory_space<hbm>>
      %dma_wait3A_1629 = arith.constant 0 : i32
      %dma_wait3A_1630 = tpu.memref_slice %arg4[%select_n3A_1594, %multiple_of3A_1613, %dma_wait3A_1629] : memref<50x4096x128xf32, #tpu.memory_space<hbm>> -> memref<1x64x128xf32, #tpu.memory_space<hbm>>
      %dma_wait3A_1631 = tpu.memref_squeeze %dma_wait3A_1630 : memref<1x64x128xf32, #tpu.memory_space<hbm>> -> memref<64x128xf32, #tpu.memory_space<hbm>>
      tpu.wait_dma2 semaphore(%arg32 : memref<!tpu.dma_semaphore, #tpu.memory_space<semaphore_mem>>) src(%arg12 : memref<64x128xf32, #tpu.memory_space<vmem>>) dst(%dma_wait3A_1631 : memref<64x128xf32, #tpu.memory_space<hbm>>)
      %add3A_1632 = arith.constant 10 : i32
      %add3A_1633 = arith.addi %add3A_1569, %add3A_1632 : i32
      %mul3A_1634 = arith.constant 64 : i32
      %mul3A_1635 = arith.muli %add3A_1633, %mul3A_1634 : i32
      %dma_start3A_1636 = tpu.memref_slice %arg5[%mul3A_1635] : memref<6400xi32, #tpu.memory_space<vmem>> -> memref<64xi32, #tpu.memory_space<vmem>>
      %dma_start3A_1637 = arith.constant 0 : i32
      %dma_start3A_1638 = arith.constant 0 : i32
      %dma_start3A_1639 = tpu.memref_slice %arg3[%dma_start3A_1637, %dma_start3A_1638] : memref<100000x128xf32, #tpu.memory_space<hbm>> -> memref<100000x128xf32, #tpu.memory_space<hbm>>
      tpu.enqueue_indirect_dma source(%dma_start3A_1639 : memref<100000x128xf32, #tpu.memory_space<hbm>>) target(%arg12 : memref<64x128xf32, #tpu.memory_space<vmem>>) offsets(%dma_start3A_1636 : memref<64xi32, #tpu.memory_space<vmem>>) semaphore(%arg22 : memref<!tpu.dma_semaphore, #tpu.memory_space<semaphore_mem>>)
      %mul3A_1640 = arith.constant 10 : i32
      %mul3A_1641 = arith.muli %scan3A_1120, %mul3A_1640 : i32
      %add3A_1642 = arith.constant 7 : i32
      %add3A_1643 = arith.addi %mul3A_1641, %add3A_1642 : i32
      %add3A_1644 = arith.addi %multiple_of3A_5, %add3A_1643 : i32
      %jit3A_1645 = arith.constant 64 : i32
      %div3A_1646 = arith.divsi %add3A_1644, %jit3A_1645 : i32
      %sign3A_1647 = arith.constant 0 : i32
      %sign3A_1648 = arith.cmpi sgt, %add3A_1644, %sign3A_1647 : i32
      %sign3A_1649 = arith.extui %sign3A_1648 : i1 to i32
      %sign3A_1650 = arith.constant 0 : i32
      %sign3A_1651 = arith.cmpi slt, %add3A_1644, %sign3A_1650 : i32
      %sign3A_1652 = arith.extui %sign3A_1651 : i1 to i32
      %sign3A_1653 = arith.subi %sign3A_1649, %sign3A_1652 : i32
      %sign3A_1654 = arith.constant 0 : i32
      %sign3A_1655 = arith.cmpi sgt, %jit3A_1645, %sign3A_1654 : i32
      %sign3A_1656 = arith.extui %sign3A_1655 : i1 to i32
      %sign3A_1657 = arith.constant 0 : i32
      %sign3A_1658 = arith.cmpi slt, %jit3A_1645, %sign3A_1657 : i32
      %sign3A_1659 = arith.extui %sign3A_1658 : i1 to i32
      %sign3A_1660 = arith.subi %sign3A_1656, %sign3A_1659 : i32
      %ne3A_1661 = arith.cmpi ne, %sign3A_1653, %sign3A_1660 : i32
      %rem3A_1662 = arith.remsi %add3A_1644, %jit3A_1645 : i32
      %ne3A_1663 = arith.constant 0 : i32
      %ne3A_1664 = arith.cmpi ne, %rem3A_1662, %ne3A_1663 : i32
      %and3A_1665 = arith.andi %ne3A_1661, %ne3A_1664 : i1
      %sub3A_1666 = arith.constant 1 : i32
      %sub3A_1667 = arith.subi %div3A_1646, %sub3A_1666 : i32
      %select_n3A_1668 = arith.select %and3A_1665, %sub3A_1667, %div3A_1646 : i32
      %jit3A_1669 = arith.constant 64 : i32
      %eq3A_1670 = arith.constant 0 : i32
      %eq3A_1671 = arith.cmpi eq, %jit3A_1669, %eq3A_1670 : i32
      %jit3A_1672 = arith.constant 1 : i32
      %select_n3A_1673 = arith.select %eq3A_1671, %jit3A_1672, %jit3A_1669 : i32
      %rem3A_1674 = arith.remsi %add3A_1644, %select_n3A_1673 : i32
      %ne3A_1675 = arith.constant 0 : i32
      %ne3A_1676 = arith.cmpi ne, %rem3A_1674, %ne3A_1675 : i32
      %lt3A_1677 = arith.constant 0 : i32
      %lt3A_1678 = arith.cmpi slt, %rem3A_1674, %lt3A_1677 : i32
      %lt3A_1679 = arith.constant 0 : i32
      %lt3A_1680 = arith.cmpi slt, %select_n3A_1673, %lt3A_1679 : i32
      %ne3A_1681 = arith.xori %lt3A_1678, %lt3A_1680 : i1
      %and3A_1682 = arith.andi %ne3A_1681, %ne3A_1676 : i1
      %add3A_1683 = arith.addi %rem3A_1674, %select_n3A_1673 : i32
      %select_n3A_1684 = arith.select %and3A_1682, %add3A_1683, %rem3A_1674 : i32
      %mul3A_1685 = arith.constant 64 : i32
      %mul3A_1686 = arith.muli %select_n3A_1684, %mul3A_1685 : i32
      %multiple_of3A_1687 = tpu.assume_multiple %mul3A_1686, 64 : i32
      %mul3A_1688 = arith.constant 64 : i32
      %mul3A_1689 = arith.muli %add3A_1643, %mul3A_1688 : i32
      %dma_wait3A_1690 = tpu.memref_slice %arg5[%mul3A_1689] : memref<6400xi32, #tpu.memory_space<vmem>> -> memref<64xi32, #tpu.memory_space<vmem>>
      %dma_wait3A_1691 = arith.constant 0 : i32
      %dma_wait3A_1692 = arith.constant 0 : i32
      %dma_wait3A_1693 = tpu.memref_slice %arg3[%dma_wait3A_1691, %dma_wait3A_1692] : memref<100000x128xf32, #tpu.memory_space<hbm>> -> memref<100000x128xf32, #tpu.memory_space<hbm>>
      tpu.wait_indirect_dma semaphore(%arg23 : memref<!tpu.dma_semaphore, #tpu.memory_space<semaphore_mem>>) src(%dma_wait3A_1693 : memref<100000x128xf32, #tpu.memory_space<hbm>>) dst(%arg13 : memref<64x128xf32, #tpu.memory_space<vmem>>)
      %dma_start3A_1694 = arith.constant 0 : i32
      %dma_start3A_1695 = tpu.memref_slice %arg4[%select_n3A_1668, %multiple_of3A_1687, %dma_start3A_1694] : memref<50x4096x128xf32, #tpu.memory_space<hbm>> -> memref<1x64x128xf32, #tpu.memory_space<hbm>>
      %dma_start3A_1696 = tpu.memref_squeeze %dma_start3A_1695 : memref<1x64x128xf32, #tpu.memory_space<hbm>> -> memref<64x128xf32, #tpu.memory_space<hbm>>
      %dma_start3A_1697 = arith.constant 0 : i32
      %dma_start3A_1698 = tpu.memref_slice %arg4[%select_n3A_1668, %multiple_of3A_1687, %dma_start3A_1697] : memref<50x4096x128xf32, #tpu.memory_space<hbm>> -> memref<1x64x128xf32, #tpu.memory_space<hbm>>
      %dma_start3A_1699 = tpu.memref_squeeze %dma_start3A_1698 : memref<1x64x128xf32, #tpu.memory_space<hbm>> -> memref<64x128xf32, #tpu.memory_space<hbm>>
      tpu.enqueue_dma source(%arg13 : memref<64x128xf32, #tpu.memory_space<vmem>>) target(%dma_start3A_1699 : memref<64x128xf32, #tpu.memory_space<hbm>>) target_semaphore(%arg33 : memref<!tpu.dma_semaphore, #tpu.memory_space<semaphore_mem>>)
      %dma_wait3A_1700 = arith.constant 0 : i32
      %dma_wait3A_1701 = tpu.memref_slice %arg4[%select_n3A_1668, %multiple_of3A_1687, %dma_wait3A_1700] : memref<50x4096x128xf32, #tpu.memory_space<hbm>> -> memref<1x64x128xf32, #tpu.memory_space<hbm>>
      %dma_wait3A_1702 = tpu.memref_squeeze %dma_wait3A_1701 : memref<1x64x128xf32, #tpu.memory_space<hbm>> -> memref<64x128xf32, #tpu.memory_space<hbm>>
      %dma_wait3A_1703 = arith.constant 0 : i32
      %dma_wait3A_1704 = tpu.memref_slice %arg4[%select_n3A_1668, %multiple_of3A_1687, %dma_wait3A_1703] : memref<50x4096x128xf32, #tpu.memory_space<hbm>> -> memref<1x64x128xf32, #tpu.memory_space<hbm>>
      %dma_wait3A_1705 = tpu.memref_squeeze %dma_wait3A_1704 : memref<1x64x128xf32, #tpu.memory_space<hbm>> -> memref<64x128xf32, #tpu.memory_space<hbm>>
      tpu.wait_dma2 semaphore(%arg33 : memref<!tpu.dma_semaphore, #tpu.memory_space<semaphore_mem>>) src(%arg13 : memref<64x128xf32, #tpu.memory_space<vmem>>) dst(%dma_wait3A_1705 : memref<64x128xf32, #tpu.memory_space<hbm>>)
      %add3A_1706 = arith.constant 10 : i32
      %add3A_1707 = arith.addi %add3A_1643, %add3A_1706 : i32
      %mul3A_1708 = arith.constant 64 : i32
      %mul3A_1709 = arith.muli %add3A_1707, %mul3A_1708 : i32
      %dma_start3A_1710 = tpu.memref_slice %arg5[%mul3A_1709] : memref<6400xi32, #tpu.memory_space<vmem>> -> memref<64xi32, #tpu.memory_space<vmem>>
      %dma_start3A_1711 = arith.constant 0 : i32
      %dma_start3A_1712 = arith.constant 0 : i32
      %dma_start3A_1713 = tpu.memref_slice %arg3[%dma_start3A_1711, %dma_start3A_1712] : memref<100000x128xf32, #tpu.memory_space<hbm>> -> memref<100000x128xf32, #tpu.memory_space<hbm>>
      tpu.enqueue_indirect_dma source(%dma_start3A_1713 : memref<100000x128xf32, #tpu.memory_space<hbm>>) target(%arg13 : memref<64x128xf32, #tpu.memory_space<vmem>>) offsets(%dma_start3A_1710 : memref<64xi32, #tpu.memory_space<vmem>>) semaphore(%arg23 : memref<!tpu.dma_semaphore, #tpu.memory_space<semaphore_mem>>)
      %mul3A_1714 = arith.constant 10 : i32
      %mul3A_1715 = arith.muli %scan3A_1120, %mul3A_1714 : i32
      %add3A_1716 = arith.constant 8 : i32
      %add3A_1717 = arith.addi %mul3A_1715, %add3A_1716 : i32
      %add3A_1718 = arith.addi %multiple_of3A_5, %add3A_1717 : i32
      %jit3A_1719 = arith.constant 64 : i32
      %div3A_1720 = arith.divsi %add3A_1718, %jit3A_1719 : i32
      %sign3A_1721 = arith.constant 0 : i32
      %sign3A_1722 = arith.cmpi sgt, %add3A_1718, %sign3A_1721 : i32
      %sign3A_1723 = arith.extui %sign3A_1722 : i1 to i32
      %sign3A_1724 = arith.constant 0 : i32
      %sign3A_1725 = arith.cmpi slt, %add3A_1718, %sign3A_1724 : i32
      %sign3A_1726 = arith.extui %sign3A_1725 : i1 to i32
      %sign3A_1727 = arith.subi %sign3A_1723, %sign3A_1726 : i32
      %sign3A_1728 = arith.constant 0 : i32
      %sign3A_1729 = arith.cmpi sgt, %jit3A_1719, %sign3A_1728 : i32
      %sign3A_1730 = arith.extui %sign3A_1729 : i1 to i32
      %sign3A_1731 = arith.constant 0 : i32
      %sign3A_1732 = arith.cmpi slt, %jit3A_1719, %sign3A_1731 : i32
      %sign3A_1733 = arith.extui %sign3A_1732 : i1 to i32
      %sign3A_1734 = arith.subi %sign3A_1730, %sign3A_1733 : i32
      %ne3A_1735 = arith.cmpi ne, %sign3A_1727, %sign3A_1734 : i32
      %rem3A_1736 = arith.remsi %add3A_1718, %jit3A_1719 : i32
      %ne3A_1737 = arith.constant 0 : i32
      %ne3A_1738 = arith.cmpi ne, %rem3A_1736, %ne3A_1737 : i32
      %and3A_1739 = arith.andi %ne3A_1735, %ne3A_1738 : i1
      %sub3A_1740 = arith.constant 1 : i32
      %sub3A_1741 = arith.subi %div3A_1720, %sub3A_1740 : i32
      %select_n3A_1742 = arith.select %and3A_1739, %sub3A_1741, %div3A_1720 : i32
      %jit3A_1743 = arith.constant 64 : i32
      %eq3A_1744 = arith.constant 0 : i32
      %eq3A_1745 = arith.cmpi eq, %jit3A_1743, %eq3A_1744 : i32
      %jit3A_1746 = arith.constant 1 : i32
      %select_n3A_1747 = arith.select %eq3A_1745, %jit3A_1746, %jit3A_1743 : i32
      %rem3A_1748 = arith.remsi %add3A_1718, %select_n3A_1747 : i32
      %ne3A_1749 = arith.constant 0 : i32
      %ne3A_1750 = arith.cmpi ne, %rem3A_1748, %ne3A_1749 : i32
      %lt3A_1751 = arith.constant 0 : i32
      %lt3A_1752 = arith.cmpi slt, %rem3A_1748, %lt3A_1751 : i32
      %lt3A_1753 = arith.constant 0 : i32
      %lt3A_1754 = arith.cmpi slt, %select_n3A_1747, %lt3A_1753 : i32
      %ne3A_1755 = arith.xori %lt3A_1752, %lt3A_1754 : i1
      %and3A_1756 = arith.andi %ne3A_1755, %ne3A_1750 : i1
      %add3A_1757 = arith.addi %rem3A_1748, %select_n3A_1747 : i32
      %select_n3A_1758 = arith.select %and3A_1756, %add3A_1757, %rem3A_1748 : i32
      %mul3A_1759 = arith.constant 64 : i32
      %mul3A_1760 = arith.muli %select_n3A_1758, %mul3A_1759 : i32
      %multiple_of3A_1761 = tpu.assume_multiple %mul3A_1760, 64 : i32
      %mul3A_1762 = arith.constant 64 : i32
      %mul3A_1763 = arith.muli %add3A_1717, %mul3A_1762 : i32
      %dma_wait3A_1764 = tpu.memref_slice %arg5[%mul3A_1763] : memref<6400xi32, #tpu.memory_space<vmem>> -> memref<64xi32, #tpu.memory_space<vmem>>
      %dma_wait3A_1765 = arith.constant 0 : i32
      %dma_wait3A_1766 = arith.constant 0 : i32
      %dma_wait3A_1767 = tpu.memref_slice %arg3[%dma_wait3A_1765, %dma_wait3A_1766] : memref<100000x128xf32, #tpu.memory_space<hbm>> -> memref<100000x128xf32, #tpu.memory_space<hbm>>
      tpu.wait_indirect_dma semaphore(%arg24 : memref<!tpu.dma_semaphore, #tpu.memory_space<semaphore_mem>>) src(%dma_wait3A_1767 : memref<100000x128xf32, #tpu.memory_space<hbm>>) dst(%arg14 : memref<64x128xf32, #tpu.memory_space<vmem>>)
      %dma_start3A_1768 = arith.constant 0 : i32
      %dma_start3A_1769 = tpu.memref_slice %arg4[%select_n3A_1742, %multiple_of3A_1761, %dma_start3A_1768] : memref<50x4096x128xf32, #tpu.memory_space<hbm>> -> memref<1x64x128xf32, #tpu.memory_space<hbm>>
      %dma_start3A_1770 = tpu.memref_squeeze %dma_start3A_1769 : memref<1x64x128xf32, #tpu.memory_space<hbm>> -> memref<64x128xf32, #tpu.memory_space<hbm>>
      %dma_start3A_1771 = arith.constant 0 : i32
      %dma_start3A_1772 = tpu.memref_slice %arg4[%select_n3A_1742, %multiple_of3A_1761, %dma_start3A_1771] : memref<50x4096x128xf32, #tpu.memory_space<hbm>> -> memref<1x64x128xf32, #tpu.memory_space<hbm>>
      %dma_start3A_1773 = tpu.memref_squeeze %dma_start3A_1772 : memref<1x64x128xf32, #tpu.memory_space<hbm>> -> memref<64x128xf32, #tpu.memory_space<hbm>>
      tpu.enqueue_dma source(%arg14 : memref<64x128xf32, #tpu.memory_space<vmem>>) target(%dma_start3A_1773 : memref<64x128xf32, #tpu.memory_space<hbm>>) target_semaphore(%arg34 : memref<!tpu.dma_semaphore, #tpu.memory_space<semaphore_mem>>)
      %dma_wait3A_1774 = arith.constant 0 : i32
      %dma_wait3A_1775 = tpu.memref_slice %arg4[%select_n3A_1742, %multiple_of3A_1761, %dma_wait3A_1774] : memref<50x4096x128xf32, #tpu.memory_space<hbm>> -> memref<1x64x128xf32, #tpu.memory_space<hbm>>
      %dma_wait3A_1776 = tpu.memref_squeeze %dma_wait3A_1775 : memref<1x64x128xf32, #tpu.memory_space<hbm>> -> memref<64x128xf32, #tpu.memory_space<hbm>>
      %dma_wait3A_1777 = arith.constant 0 : i32
      %dma_wait3A_1778 = tpu.memref_slice %arg4[%select_n3A_1742, %multiple_of3A_1761, %dma_wait3A_1777] : memref<50x4096x128xf32, #tpu.memory_space<hbm>> -> memref<1x64x128xf32, #tpu.memory_space<hbm>>
      %dma_wait3A_1779 = tpu.memref_squeeze %dma_wait3A_1778 : memref<1x64x128xf32, #tpu.memory_space<hbm>> -> memref<64x128xf32, #tpu.memory_space<hbm>>
      tpu.wait_dma2 semaphore(%arg34 : memref<!tpu.dma_semaphore, #tpu.memory_space<semaphore_mem>>) src(%arg14 : memref<64x128xf32, #tpu.memory_space<vmem>>) dst(%dma_wait3A_1779 : memref<64x128xf32, #tpu.memory_space<hbm>>)
      %add3A_1780 = arith.constant 10 : i32
      %add3A_1781 = arith.addi %add3A_1717, %add3A_1780 : i32
      %mul3A_1782 = arith.constant 64 : i32
      %mul3A_1783 = arith.muli %add3A_1781, %mul3A_1782 : i32
      %dma_start3A_1784 = tpu.memref_slice %arg5[%mul3A_1783] : memref<6400xi32, #tpu.memory_space<vmem>> -> memref<64xi32, #tpu.memory_space<vmem>>
      %dma_start3A_1785 = arith.constant 0 : i32
      %dma_start3A_1786 = arith.constant 0 : i32
      %dma_start3A_1787 = tpu.memref_slice %arg3[%dma_start3A_1785, %dma_start3A_1786] : memref<100000x128xf32, #tpu.memory_space<hbm>> -> memref<100000x128xf32, #tpu.memory_space<hbm>>
      tpu.enqueue_indirect_dma source(%dma_start3A_1787 : memref<100000x128xf32, #tpu.memory_space<hbm>>) target(%arg14 : memref<64x128xf32, #tpu.memory_space<vmem>>) offsets(%dma_start3A_1784 : memref<64xi32, #tpu.memory_space<vmem>>) semaphore(%arg24 : memref<!tpu.dma_semaphore, #tpu.memory_space<semaphore_mem>>)
      %mul3A_1788 = arith.constant 10 : i32
      %mul3A_1789 = arith.muli %scan3A_1120, %mul3A_1788 : i32
      %add3A_1790 = arith.constant 9 : i32
      %add3A_1791 = arith.addi %mul3A_1789, %add3A_1790 : i32
      %add3A_1792 = arith.addi %multiple_of3A_5, %add3A_1791 : i32
      %jit3A_1793 = arith.constant 64 : i32
      %div3A_1794 = arith.divsi %add3A_1792, %jit3A_1793 : i32
      %sign3A_1795 = arith.constant 0 : i32
      %sign3A_1796 = arith.cmpi sgt, %add3A_1792, %sign3A_1795 : i32
      %sign3A_1797 = arith.extui %sign3A_1796 : i1 to i32
      %sign3A_1798 = arith.constant 0 : i32
      %sign3A_1799 = arith.cmpi slt, %add3A_1792, %sign3A_1798 : i32
      %sign3A_1800 = arith.extui %sign3A_1799 : i1 to i32
      %sign3A_1801 = arith.subi %sign3A_1797, %sign3A_1800 : i32
      %sign3A_1802 = arith.constant 0 : i32
      %sign3A_1803 = arith.cmpi sgt, %jit3A_1793, %sign3A_1802 : i32
      %sign3A_1804 = arith.extui %sign3A_1803 : i1 to i32
      %sign3A_1805 = arith.constant 0 : i32
      %sign3A_1806 = arith.cmpi slt, %jit3A_1793, %sign3A_1805 : i32
      %sign3A_1807 = arith.extui %sign3A_1806 : i1 to i32
      %sign3A_1808 = arith.subi %sign3A_1804, %sign3A_1807 : i32
      %ne3A_1809 = arith.cmpi ne, %sign3A_1801, %sign3A_1808 : i32
      %rem3A_1810 = arith.remsi %add3A_1792, %jit3A_1793 : i32
      %ne3A_1811 = arith.constant 0 : i32
      %ne3A_1812 = arith.cmpi ne, %rem3A_1810, %ne3A_1811 : i32
      %and3A_1813 = arith.andi %ne3A_1809, %ne3A_1812 : i1
      %sub3A_1814 = arith.constant 1 : i32
      %sub3A_1815 = arith.subi %div3A_1794, %sub3A_1814 : i32
      %select_n3A_1816 = arith.select %and3A_1813, %sub3A_1815, %div3A_1794 : i32
      %jit3A_1817 = arith.constant 64 : i32
      %eq3A_1818 = arith.constant 0 : i32
      %eq3A_1819 = arith.cmpi eq, %jit3A_1817, %eq3A_1818 : i32
      %jit3A_1820 = arith.constant 1 : i32
      %select_n3A_1821 = arith.select %eq3A_1819, %jit3A_1820, %jit3A_1817 : i32
      %rem3A_1822 = arith.remsi %add3A_1792, %select_n3A_1821 : i32
      %ne3A_1823 = arith.constant 0 : i32
      %ne3A_1824 = arith.cmpi ne, %rem3A_1822, %ne3A_1823 : i32
      %lt3A_1825 = arith.constant 0 : i32
      %lt3A_1826 = arith.cmpi slt, %rem3A_1822, %lt3A_1825 : i32
      %lt3A_1827 = arith.constant 0 : i32
      %lt3A_1828 = arith.cmpi slt, %select_n3A_1821, %lt3A_1827 : i32
      %ne3A_1829 = arith.xori %lt3A_1826, %lt3A_1828 : i1
      %and3A_1830 = arith.andi %ne3A_1829, %ne3A_1824 : i1
      %add3A_1831 = arith.addi %rem3A_1822, %select_n3A_1821 : i32
      %select_n3A_1832 = arith.select %and3A_1830, %add3A_1831, %rem3A_1822 : i32
      %mul3A_1833 = arith.constant 64 : i32
      %mul3A_1834 = arith.muli %select_n3A_1832, %mul3A_1833 : i32
      %multiple_of3A_1835 = tpu.assume_multiple %mul3A_1834, 64 : i32
      %mul3A_1836 = arith.constant 64 : i32
      %mul3A_1837 = arith.muli %add3A_1791, %mul3A_1836 : i32
      %dma_wait3A_1838 = tpu.memref_slice %arg5[%mul3A_1837] : memref<6400xi32, #tpu.memory_space<vmem>> -> memref<64xi32, #tpu.memory_space<vmem>>
      %dma_wait3A_1839 = arith.constant 0 : i32
      %dma_wait3A_1840 = arith.constant 0 : i32
      %dma_wait3A_1841 = tpu.memref_slice %arg3[%dma_wait3A_1839, %dma_wait3A_1840] : memref<100000x128xf32, #tpu.memory_space<hbm>> -> memref<100000x128xf32, #tpu.memory_space<hbm>>
      tpu.wait_indirect_dma semaphore(%arg25 : memref<!tpu.dma_semaphore, #tpu.memory_space<semaphore_mem>>) src(%dma_wait3A_1841 : memref<100000x128xf32, #tpu.memory_space<hbm>>) dst(%arg15 : memref<64x128xf32, #tpu.memory_space<vmem>>)
      %dma_start3A_1842 = arith.constant 0 : i32
      %dma_start3A_1843 = tpu.memref_slice %arg4[%select_n3A_1816, %multiple_of3A_1835, %dma_start3A_1842] : memref<50x4096x128xf32, #tpu.memory_space<hbm>> -> memref<1x64x128xf32, #tpu.memory_space<hbm>>
      %dma_start3A_1844 = tpu.memref_squeeze %dma_start3A_1843 : memref<1x64x128xf32, #tpu.memory_space<hbm>> -> memref<64x128xf32, #tpu.memory_space<hbm>>
      %dma_start3A_1845 = arith.constant 0 : i32
      %dma_start3A_1846 = tpu.memref_slice %arg4[%select_n3A_1816, %multiple_of3A_1835, %dma_start3A_1845] : memref<50x4096x128xf32, #tpu.memory_space<hbm>> -> memref<1x64x128xf32, #tpu.memory_space<hbm>>
      %dma_start3A_1847 = tpu.memref_squeeze %dma_start3A_1846 : memref<1x64x128xf32, #tpu.memory_space<hbm>> -> memref<64x128xf32, #tpu.memory_space<hbm>>
      tpu.enqueue_dma source(%arg15 : memref<64x128xf32, #tpu.memory_space<vmem>>) target(%dma_start3A_1847 : memref<64x128xf32, #tpu.memory_space<hbm>>) target_semaphore(%arg35 : memref<!tpu.dma_semaphore, #tpu.memory_space<semaphore_mem>>)
      %dma_wait3A_1848 = arith.constant 0 : i32
      %dma_wait3A_1849 = tpu.memref_slice %arg4[%select_n3A_1816, %multiple_of3A_1835, %dma_wait3A_1848] : memref<50x4096x128xf32, #tpu.memory_space<hbm>> -> memref<1x64x128xf32, #tpu.memory_space<hbm>>
      %dma_wait3A_1850 = tpu.memref_squeeze %dma_wait3A_1849 : memref<1x64x128xf32, #tpu.memory_space<hbm>> -> memref<64x128xf32, #tpu.memory_space<hbm>>
      %dma_wait3A_1851 = arith.constant 0 : i32
      %dma_wait3A_1852 = tpu.memref_slice %arg4[%select_n3A_1816, %multiple_of3A_1835, %dma_wait3A_1851] : memref<50x4096x128xf32, #tpu.memory_space<hbm>> -> memref<1x64x128xf32, #tpu.memory_space<hbm>>
      %dma_wait3A_1853 = tpu.memref_squeeze %dma_wait3A_1852 : memref<1x64x128xf32, #tpu.memory_space<hbm>> -> memref<64x128xf32, #tpu.memory_space<hbm>>
      tpu.wait_dma2 semaphore(%arg35 : memref<!tpu.dma_semaphore, #tpu.memory_space<semaphore_mem>>) src(%arg15 : memref<64x128xf32, #tpu.memory_space<vmem>>) dst(%dma_wait3A_1853 : memref<64x128xf32, #tpu.memory_space<hbm>>)
      %add3A_1854 = arith.constant 10 : i32
      %add3A_1855 = arith.addi %add3A_1791, %add3A_1854 : i32
      %mul3A_1856 = arith.constant 64 : i32
      %mul3A_1857 = arith.muli %add3A_1855, %mul3A_1856 : i32
      %dma_start3A_1858 = tpu.memref_slice %arg5[%mul3A_1857] : memref<6400xi32, #tpu.memory_space<vmem>> -> memref<64xi32, #tpu.memory_space<vmem>>
      %dma_start3A_1859 = arith.constant 0 : i32
      %dma_start3A_1860 = arith.constant 0 : i32
      %dma_start3A_1861 = tpu.memref_slice %arg3[%dma_start3A_1859, %dma_start3A_1860] : memref<100000x128xf32, #tpu.memory_space<hbm>> -> memref<100000x128xf32, #tpu.memory_space<hbm>>
      tpu.enqueue_indirect_dma source(%dma_start3A_1861 : memref<100000x128xf32, #tpu.memory_space<hbm>>) target(%arg15 : memref<64x128xf32, #tpu.memory_space<vmem>>) offsets(%dma_start3A_1858 : memref<64xi32, #tpu.memory_space<vmem>>) semaphore(%arg25 : memref<!tpu.dma_semaphore, #tpu.memory_space<semaphore_mem>>)
      %scan3A_1862 = arith.constant 0 : i32
      scf.yield %scan3A_1862 : i32
    }
    %scan3A_60 = arith.constant 9 : i32
    %add3A_61 = arith.constant 90 : i32
    %add3A_62 = arith.addi %multiple_of3A_5, %add3A_61 : i32
    %jit3A = arith.constant 64 : i32
    %div3A = arith.divsi %add3A_62, %jit3A : i32
    %sign3A = arith.constant 0 : i32
    %sign3A_63 = arith.cmpi sgt, %add3A_62, %sign3A : i32
    %sign3A_64 = arith.extui %sign3A_63 : i1 to i32
    %sign3A_65 = arith.constant 0 : i32
    %sign3A_66 = arith.cmpi slt, %add3A_62, %sign3A_65 : i32
    %sign3A_67 = arith.extui %sign3A_66 : i1 to i32
    %sign3A_68 = arith.subi %sign3A_64, %sign3A_67 : i32
    %sign3A_69 = arith.constant 0 : i32
    %sign3A_70 = arith.cmpi sgt, %jit3A, %sign3A_69 : i32
    %sign3A_71 = arith.extui %sign3A_70 : i1 to i32
    %sign3A_72 = arith.constant 0 : i32
    %sign3A_73 = arith.cmpi slt, %jit3A, %sign3A_72 : i32
    %sign3A_74 = arith.extui %sign3A_73 : i1 to i32
    %sign3A_75 = arith.subi %sign3A_71, %sign3A_74 : i32
    %ne3A = arith.cmpi ne, %sign3A_68, %sign3A_75 : i32
    %rem3A = arith.remsi %add3A_62, %jit3A : i32
    %ne3A_76 = arith.constant 0 : i32
    %ne3A_77 = arith.cmpi ne, %rem3A, %ne3A_76 : i32
    %and3A = arith.andi %ne3A, %ne3A_77 : i1
    %sub3A = arith.constant 1 : i32
    %sub3A_78 = arith.subi %div3A, %sub3A : i32
    %select_n3A = arith.select %and3A, %sub3A_78, %div3A : i32
    %jit3A_79 = arith.constant 64 : i32
    %eq3A = arith.constant 0 : i32
    %eq3A_80 = arith.cmpi eq, %jit3A_79, %eq3A : i32
    %jit3A_81 = arith.constant 1 : i32
    %select_n3A_82 = arith.select %eq3A_80, %jit3A_81, %jit3A_79 : i32
    %rem3A_83 = arith.remsi %add3A_62, %select_n3A_82 : i32
    %ne3A_84 = arith.constant 0 : i32
    %ne3A_85 = arith.cmpi ne, %rem3A_83, %ne3A_84 : i32
    %lt3A = arith.constant 0 : i32
    %lt3A_86 = arith.cmpi slt, %rem3A_83, %lt3A : i32
    %lt3A_87 = arith.constant 0 : i32
    %lt3A_88 = arith.cmpi slt, %select_n3A_82, %lt3A_87 : i32
    %ne3A_89 = arith.xori %lt3A_86, %lt3A_88 : i1
    %and3A_90 = arith.andi %ne3A_89, %ne3A_85 : i1
    %add3A_91 = arith.addi %rem3A_83, %select_n3A_82 : i32
    %select_n3A_92 = arith.select %and3A_90, %add3A_91, %rem3A_83 : i32
    %mul3A_93 = arith.constant 64 : i32
    %mul3A_94 = arith.muli %select_n3A_92, %mul3A_93 : i32
    %multiple_of3A_95 = tpu.assume_multiple %mul3A_94, 64 : i32
    %dma_wait3A = arith.constant 5760 : i32
    %dma_wait3A_96 = tpu.memref_slice %arg5[%dma_wait3A] : memref<6400xi32, #tpu.memory_space<vmem>> -> memref<64xi32, #tpu.memory_space<vmem>>
    %dma_wait3A_97 = arith.constant 0 : i32
    %dma_wait3A_98 = arith.constant 0 : i32
    %dma_wait3A_99 = tpu.memref_slice %arg3[%dma_wait3A_97, %dma_wait3A_98] : memref<100000x128xf32, #tpu.memory_space<hbm>> -> memref<100000x128xf32, #tpu.memory_space<hbm>>
    tpu.wait_indirect_dma semaphore(%arg16 : memref<!tpu.dma_semaphore, #tpu.memory_space<semaphore_mem>>) src(%dma_wait3A_99 : memref<100000x128xf32, #tpu.memory_space<hbm>>) dst(%arg6 : memref<64x128xf32, #tpu.memory_space<vmem>>)
    %dma_start3A_100 = arith.constant 0 : i32
    %dma_start3A_101 = tpu.memref_slice %arg4[%select_n3A, %multiple_of3A_95, %dma_start3A_100] : memref<50x4096x128xf32, #tpu.memory_space<hbm>> -> memref<1x64x128xf32, #tpu.memory_space<hbm>>
    %dma_start3A_102 = tpu.memref_squeeze %dma_start3A_101 : memref<1x64x128xf32, #tpu.memory_space<hbm>> -> memref<64x128xf32, #tpu.memory_space<hbm>>
    %dma_start3A_103 = arith.constant 0 : i32
    %dma_start3A_104 = tpu.memref_slice %arg4[%select_n3A, %multiple_of3A_95, %dma_start3A_103] : memref<50x4096x128xf32, #tpu.memory_space<hbm>> -> memref<1x64x128xf32, #tpu.memory_space<hbm>>
    %dma_start3A_105 = tpu.memref_squeeze %dma_start3A_104 : memref<1x64x128xf32, #tpu.memory_space<hbm>> -> memref<64x128xf32, #tpu.memory_space<hbm>>
    tpu.enqueue_dma source(%arg6 : memref<64x128xf32, #tpu.memory_space<vmem>>) target(%dma_start3A_105 : memref<64x128xf32, #tpu.memory_space<hbm>>) target_semaphore(%arg26 : memref<!tpu.dma_semaphore, #tpu.memory_space<semaphore_mem>>)
    %add3A_106 = arith.constant 91 : i32
    %add3A_107 = arith.addi %multiple_of3A_5, %add3A_106 : i32
    %jit3A_108 = arith.constant 64 : i32
    %div3A_109 = arith.divsi %add3A_107, %jit3A_108 : i32
    %sign3A_110 = arith.constant 0 : i32
    %sign3A_111 = arith.cmpi sgt, %add3A_107, %sign3A_110 : i32
    %sign3A_112 = arith.extui %sign3A_111 : i1 to i32
    %sign3A_113 = arith.constant 0 : i32
    %sign3A_114 = arith.cmpi slt, %add3A_107, %sign3A_113 : i32
    %sign3A_115 = arith.extui %sign3A_114 : i1 to i32
    %sign3A_116 = arith.subi %sign3A_112, %sign3A_115 : i32
    %sign3A_117 = arith.constant 0 : i32
    %sign3A_118 = arith.cmpi sgt, %jit3A_108, %sign3A_117 : i32
    %sign3A_119 = arith.extui %sign3A_118 : i1 to i32
    %sign3A_120 = arith.constant 0 : i32
    %sign3A_121 = arith.cmpi slt, %jit3A_108, %sign3A_120 : i32
    %sign3A_122 = arith.extui %sign3A_121 : i1 to i32
    %sign3A_123 = arith.subi %sign3A_119, %sign3A_122 : i32
    %ne3A_124 = arith.cmpi ne, %sign3A_116, %sign3A_123 : i32
    %rem3A_125 = arith.remsi %add3A_107, %jit3A_108 : i32
    %ne3A_126 = arith.constant 0 : i32
    %ne3A_127 = arith.cmpi ne, %rem3A_125, %ne3A_126 : i32
    %and3A_128 = arith.andi %ne3A_124, %ne3A_127 : i1
    %sub3A_129 = arith.constant 1 : i32
    %sub3A_130 = arith.subi %div3A_109, %sub3A_129 : i32
    %select_n3A_131 = arith.select %and3A_128, %sub3A_130, %div3A_109 : i32
    %jit3A_132 = arith.constant 64 : i32
    %eq3A_133 = arith.constant 0 : i32
    %eq3A_134 = arith.cmpi eq, %jit3A_132, %eq3A_133 : i32
    %jit3A_135 = arith.constant 1 : i32
    %select_n3A_136 = arith.select %eq3A_134, %jit3A_135, %jit3A_132 : i32
    %rem3A_137 = arith.remsi %add3A_107, %select_n3A_136 : i32
    %ne3A_138 = arith.constant 0 : i32
    %ne3A_139 = arith.cmpi ne, %rem3A_137, %ne3A_138 : i32
    %lt3A_140 = arith.constant 0 : i32
    %lt3A_141 = arith.cmpi slt, %rem3A_137, %lt3A_140 : i32
    %lt3A_142 = arith.constant 0 : i32
    %lt3A_143 = arith.cmpi slt, %select_n3A_136, %lt3A_142 : i32
    %ne3A_144 = arith.xori %lt3A_141, %lt3A_143 : i1
    %and3A_145 = arith.andi %ne3A_144, %ne3A_139 : i1
    %add3A_146 = arith.addi %rem3A_137, %select_n3A_136 : i32
    %select_n3A_147 = arith.select %and3A_145, %add3A_146, %rem3A_137 : i32
    %mul3A_148 = arith.constant 64 : i32
    %mul3A_149 = arith.muli %select_n3A_147, %mul3A_148 : i32
    %multiple_of3A_150 = tpu.assume_multiple %mul3A_149, 64 : i32
    %dma_wait3A_151 = arith.constant 5824 : i32
    %dma_wait3A_152 = tpu.memref_slice %arg5[%dma_wait3A_151] : memref<6400xi32, #tpu.memory_space<vmem>> -> memref<64xi32, #tpu.memory_space<vmem>>
    %dma_wait3A_153 = arith.constant 0 : i32
    %dma_wait3A_154 = arith.constant 0 : i32
    %dma_wait3A_155 = tpu.memref_slice %arg3[%dma_wait3A_153, %dma_wait3A_154] : memref<100000x128xf32, #tpu.memory_space<hbm>> -> memref<100000x128xf32, #tpu.memory_space<hbm>>
    tpu.wait_indirect_dma semaphore(%arg17 : memref<!tpu.dma_semaphore, #tpu.memory_space<semaphore_mem>>) src(%dma_wait3A_155 : memref<100000x128xf32, #tpu.memory_space<hbm>>) dst(%arg7 : memref<64x128xf32, #tpu.memory_space<vmem>>)
    %dma_start3A_156 = arith.constant 0 : i32
    %dma_start3A_157 = tpu.memref_slice %arg4[%select_n3A_131, %multiple_of3A_150, %dma_start3A_156] : memref<50x4096x128xf32, #tpu.memory_space<hbm>> -> memref<1x64x128xf32, #tpu.memory_space<hbm>>
    %dma_start3A_158 = tpu.memref_squeeze %dma_start3A_157 : memref<1x64x128xf32, #tpu.memory_space<hbm>> -> memref<64x128xf32, #tpu.memory_space<hbm>>
    %dma_start3A_159 = arith.constant 0 : i32
    %dma_start3A_160 = tpu.memref_slice %arg4[%select_n3A_131, %multiple_of3A_150, %dma_start3A_159] : memref<50x4096x128xf32, #tpu.memory_space<hbm>> -> memref<1x64x128xf32, #tpu.memory_space<hbm>>
    %dma_start3A_161 = tpu.memref_squeeze %dma_start3A_160 : memref<1x64x128xf32, #tpu.memory_space<hbm>> -> memref<64x128xf32, #tpu.memory_space<hbm>>
    tpu.enqueue_dma source(%arg7 : memref<64x128xf32, #tpu.memory_space<vmem>>) target(%dma_start3A_161 : memref<64x128xf32, #tpu.memory_space<hbm>>) target_semaphore(%arg27 : memref<!tpu.dma_semaphore, #tpu.memory_space<semaphore_mem>>)
    %add3A_162 = arith.constant 92 : i32
    %add3A_163 = arith.addi %multiple_of3A_5, %add3A_162 : i32
    %jit3A_164 = arith.constant 64 : i32
    %div3A_165 = arith.divsi %add3A_163, %jit3A_164 : i32
    %sign3A_166 = arith.constant 0 : i32
    %sign3A_167 = arith.cmpi sgt, %add3A_163, %sign3A_166 : i32
    %sign3A_168 = arith.extui %sign3A_167 : i1 to i32
    %sign3A_169 = arith.constant 0 : i32
    %sign3A_170 = arith.cmpi slt, %add3A_163, %sign3A_169 : i32
    %sign3A_171 = arith.extui %sign3A_170 : i1 to i32
    %sign3A_172 = arith.subi %sign3A_168, %sign3A_171 : i32
    %sign3A_173 = arith.constant 0 : i32
    %sign3A_174 = arith.cmpi sgt, %jit3A_164, %sign3A_173 : i32
    %sign3A_175 = arith.extui %sign3A_174 : i1 to i32
    %sign3A_176 = arith.constant 0 : i32
    %sign3A_177 = arith.cmpi slt, %jit3A_164, %sign3A_176 : i32
    %sign3A_178 = arith.extui %sign3A_177 : i1 to i32
    %sign3A_179 = arith.subi %sign3A_175, %sign3A_178 : i32
    %ne3A_180 = arith.cmpi ne, %sign3A_172, %sign3A_179 : i32
    %rem3A_181 = arith.remsi %add3A_163, %jit3A_164 : i32
    %ne3A_182 = arith.constant 0 : i32
    %ne3A_183 = arith.cmpi ne, %rem3A_181, %ne3A_182 : i32
    %and3A_184 = arith.andi %ne3A_180, %ne3A_183 : i1
    %sub3A_185 = arith.constant 1 : i32
    %sub3A_186 = arith.subi %div3A_165, %sub3A_185 : i32
    %select_n3A_187 = arith.select %and3A_184, %sub3A_186, %div3A_165 : i32
    %jit3A_188 = arith.constant 64 : i32
    %eq3A_189 = arith.constant 0 : i32
    %eq3A_190 = arith.cmpi eq, %jit3A_188, %eq3A_189 : i32
    %jit3A_191 = arith.constant 1 : i32
    %select_n3A_192 = arith.select %eq3A_190, %jit3A_191, %jit3A_188 : i32
    %rem3A_193 = arith.remsi %add3A_163, %select_n3A_192 : i32
    %ne3A_194 = arith.constant 0 : i32
    %ne3A_195 = arith.cmpi ne, %rem3A_193, %ne3A_194 : i32
    %lt3A_196 = arith.constant 0 : i32
    %lt3A_197 = arith.cmpi slt, %rem3A_193, %lt3A_196 : i32
    %lt3A_198 = arith.constant 0 : i32
    %lt3A_199 = arith.cmpi slt, %select_n3A_192, %lt3A_198 : i32
    %ne3A_200 = arith.xori %lt3A_197, %lt3A_199 : i1
    %and3A_201 = arith.andi %ne3A_200, %ne3A_195 : i1
    %add3A_202 = arith.addi %rem3A_193, %select_n3A_192 : i32
    %select_n3A_203 = arith.select %and3A_201, %add3A_202, %rem3A_193 : i32
    %mul3A_204 = arith.constant 64 : i32
    %mul3A_205 = arith.muli %select_n3A_203, %mul3A_204 : i32
    %multiple_of3A_206 = tpu.assume_multiple %mul3A_205, 64 : i32
    %dma_wait3A_207 = arith.constant 5888 : i32
    %dma_wait3A_208 = tpu.memref_slice %arg5[%dma_wait3A_207] : memref<6400xi32, #tpu.memory_space<vmem>> -> memref<64xi32, #tpu.memory_space<vmem>>
    %dma_wait3A_209 = arith.constant 0 : i32
    %dma_wait3A_210 = arith.constant 0 : i32
    %dma_wait3A_211 = tpu.memref_slice %arg3[%dma_wait3A_209, %dma_wait3A_210] : memref<100000x128xf32, #tpu.memory_space<hbm>> -> memref<100000x128xf32, #tpu.memory_space<hbm>>
    tpu.wait_indirect_dma semaphore(%arg18 : memref<!tpu.dma_semaphore, #tpu.memory_space<semaphore_mem>>) src(%dma_wait3A_211 : memref<100000x128xf32, #tpu.memory_space<hbm>>) dst(%arg8 : memref<64x128xf32, #tpu.memory_space<vmem>>)
    %dma_start3A_212 = arith.constant 0 : i32
    %dma_start3A_213 = tpu.memref_slice %arg4[%select_n3A_187, %multiple_of3A_206, %dma_start3A_212] : memref<50x4096x128xf32, #tpu.memory_space<hbm>> -> memref<1x64x128xf32, #tpu.memory_space<hbm>>
    %dma_start3A_214 = tpu.memref_squeeze %dma_start3A_213 : memref<1x64x128xf32, #tpu.memory_space<hbm>> -> memref<64x128xf32, #tpu.memory_space<hbm>>
    %dma_start3A_215 = arith.constant 0 : i32
    %dma_start3A_216 = tpu.memref_slice %arg4[%select_n3A_187, %multiple_of3A_206, %dma_start3A_215] : memref<50x4096x128xf32, #tpu.memory_space<hbm>> -> memref<1x64x128xf32, #tpu.memory_space<hbm>>
    %dma_start3A_217 = tpu.memref_squeeze %dma_start3A_216 : memref<1x64x128xf32, #tpu.memory_space<hbm>> -> memref<64x128xf32, #tpu.memory_space<hbm>>
    tpu.enqueue_dma source(%arg8 : memref<64x128xf32, #tpu.memory_space<vmem>>) target(%dma_start3A_217 : memref<64x128xf32, #tpu.memory_space<hbm>>) target_semaphore(%arg28 : memref<!tpu.dma_semaphore, #tpu.memory_space<semaphore_mem>>)
    %add3A_218 = arith.constant 93 : i32
    %add3A_219 = arith.addi %multiple_of3A_5, %add3A_218 : i32
    %jit3A_220 = arith.constant 64 : i32
    %div3A_221 = arith.divsi %add3A_219, %jit3A_220 : i32
    %sign3A_222 = arith.constant 0 : i32
    %sign3A_223 = arith.cmpi sgt, %add3A_219, %sign3A_222 : i32
    %sign3A_224 = arith.extui %sign3A_223 : i1 to i32
    %sign3A_225 = arith.constant 0 : i32
    %sign3A_226 = arith.cmpi slt, %add3A_219, %sign3A_225 : i32
    %sign3A_227 = arith.extui %sign3A_226 : i1 to i32
    %sign3A_228 = arith.subi %sign3A_224, %sign3A_227 : i32
    %sign3A_229 = arith.constant 0 : i32
    %sign3A_230 = arith.cmpi sgt, %jit3A_220, %sign3A_229 : i32
    %sign3A_231 = arith.extui %sign3A_230 : i1 to i32
    %sign3A_232 = arith.constant 0 : i32
    %sign3A_233 = arith.cmpi slt, %jit3A_220, %sign3A_232 : i32
    %sign3A_234 = arith.extui %sign3A_233 : i1 to i32
    %sign3A_235 = arith.subi %sign3A_231, %sign3A_234 : i32
    %ne3A_236 = arith.cmpi ne, %sign3A_228, %sign3A_235 : i32
    %rem3A_237 = arith.remsi %add3A_219, %jit3A_220 : i32
    %ne3A_238 = arith.constant 0 : i32
    %ne3A_239 = arith.cmpi ne, %rem3A_237, %ne3A_238 : i32
    %and3A_240 = arith.andi %ne3A_236, %ne3A_239 : i1
    %sub3A_241 = arith.constant 1 : i32
    %sub3A_242 = arith.subi %div3A_221, %sub3A_241 : i32
    %select_n3A_243 = arith.select %and3A_240, %sub3A_242, %div3A_221 : i32
    %jit3A_244 = arith.constant 64 : i32
    %eq3A_245 = arith.constant 0 : i32
    %eq3A_246 = arith.cmpi eq, %jit3A_244, %eq3A_245 : i32
    %jit3A_247 = arith.constant 1 : i32
    %select_n3A_248 = arith.select %eq3A_246, %jit3A_247, %jit3A_244 : i32
    %rem3A_249 = arith.remsi %add3A_219, %select_n3A_248 : i32
    %ne3A_250 = arith.constant 0 : i32
    %ne3A_251 = arith.cmpi ne, %rem3A_249, %ne3A_250 : i32
    %lt3A_252 = arith.constant 0 : i32
    %lt3A_253 = arith.cmpi slt, %rem3A_249, %lt3A_252 : i32
    %lt3A_254 = arith.constant 0 : i32
    %lt3A_255 = arith.cmpi slt, %select_n3A_248, %lt3A_254 : i32
    %ne3A_256 = arith.xori %lt3A_253, %lt3A_255 : i1
    %and3A_257 = arith.andi %ne3A_256, %ne3A_251 : i1
    %add3A_258 = arith.addi %rem3A_249, %select_n3A_248 : i32
    %select_n3A_259 = arith.select %and3A_257, %add3A_258, %rem3A_249 : i32
    %mul3A_260 = arith.constant 64 : i32
    %mul3A_261 = arith.muli %select_n3A_259, %mul3A_260 : i32
    %multiple_of3A_262 = tpu.assume_multiple %mul3A_261, 64 : i32
    %dma_wait3A_263 = arith.constant 5952 : i32
    %dma_wait3A_264 = tpu.memref_slice %arg5[%dma_wait3A_263] : memref<6400xi32, #tpu.memory_space<vmem>> -> memref<64xi32, #tpu.memory_space<vmem>>
    %dma_wait3A_265 = arith.constant 0 : i32
    %dma_wait3A_266 = arith.constant 0 : i32
    %dma_wait3A_267 = tpu.memref_slice %arg3[%dma_wait3A_265, %dma_wait3A_266] : memref<100000x128xf32, #tpu.memory_space<hbm>> -> memref<100000x128xf32, #tpu.memory_space<hbm>>
    tpu.wait_indirect_dma semaphore(%arg19 : memref<!tpu.dma_semaphore, #tpu.memory_space<semaphore_mem>>) src(%dma_wait3A_267 : memref<100000x128xf32, #tpu.memory_space<hbm>>) dst(%arg9 : memref<64x128xf32, #tpu.memory_space<vmem>>)
    %dma_start3A_268 = arith.constant 0 : i32
    %dma_start3A_269 = tpu.memref_slice %arg4[%select_n3A_243, %multiple_of3A_262, %dma_start3A_268] : memref<50x4096x128xf32, #tpu.memory_space<hbm>> -> memref<1x64x128xf32, #tpu.memory_space<hbm>>
    %dma_start3A_270 = tpu.memref_squeeze %dma_start3A_269 : memref<1x64x128xf32, #tpu.memory_space<hbm>> -> memref<64x128xf32, #tpu.memory_space<hbm>>
    %dma_start3A_271 = arith.constant 0 : i32
    %dma_start3A_272 = tpu.memref_slice %arg4[%select_n3A_243, %multiple_of3A_262, %dma_start3A_271] : memref<50x4096x128xf32, #tpu.memory_space<hbm>> -> memref<1x64x128xf32, #tpu.memory_space<hbm>>
    %dma_start3A_273 = tpu.memref_squeeze %dma_start3A_272 : memref<1x64x128xf32, #tpu.memory_space<hbm>> -> memref<64x128xf32, #tpu.memory_space<hbm>>
    tpu.enqueue_dma source(%arg9 : memref<64x128xf32, #tpu.memory_space<vmem>>) target(%dma_start3A_273 : memref<64x128xf32, #tpu.memory_space<hbm>>) target_semaphore(%arg29 : memref<!tpu.dma_semaphore, #tpu.memory_space<semaphore_mem>>)
    %add3A_274 = arith.constant 94 : i32
    %add3A_275 = arith.addi %multiple_of3A_5, %add3A_274 : i32
    %jit3A_276 = arith.constant 64 : i32
    %div3A_277 = arith.divsi %add3A_275, %jit3A_276 : i32
    %sign3A_278 = arith.constant 0 : i32
    %sign3A_279 = arith.cmpi sgt, %add3A_275, %sign3A_278 : i32
    %sign3A_280 = arith.extui %sign3A_279 : i1 to i32
    %sign3A_281 = arith.constant 0 : i32
    %sign3A_282 = arith.cmpi slt, %add3A_275, %sign3A_281 : i32
    %sign3A_283 = arith.extui %sign3A_282 : i1 to i32
    %sign3A_284 = arith.subi %sign3A_280, %sign3A_283 : i32
    %sign3A_285 = arith.constant 0 : i32
    %sign3A_286 = arith.cmpi sgt, %jit3A_276, %sign3A_285 : i32
    %sign3A_287 = arith.extui %sign3A_286 : i1 to i32
    %sign3A_288 = arith.constant 0 : i32
    %sign3A_289 = arith.cmpi slt, %jit3A_276, %sign3A_288 : i32
    %sign3A_290 = arith.extui %sign3A_289 : i1 to i32
    %sign3A_291 = arith.subi %sign3A_287, %sign3A_290 : i32
    %ne3A_292 = arith.cmpi ne, %sign3A_284, %sign3A_291 : i32
    %rem3A_293 = arith.remsi %add3A_275, %jit3A_276 : i32
    %ne3A_294 = arith.constant 0 : i32
    %ne3A_295 = arith.cmpi ne, %rem3A_293, %ne3A_294 : i32
    %and3A_296 = arith.andi %ne3A_292, %ne3A_295 : i1
    %sub3A_297 = arith.constant 1 : i32
    %sub3A_298 = arith.subi %div3A_277, %sub3A_297 : i32
    %select_n3A_299 = arith.select %and3A_296, %sub3A_298, %div3A_277 : i32
    %jit3A_300 = arith.constant 64 : i32
    %eq3A_301 = arith.constant 0 : i32
    %eq3A_302 = arith.cmpi eq, %jit3A_300, %eq3A_301 : i32
    %jit3A_303 = arith.constant 1 : i32
    %select_n3A_304 = arith.select %eq3A_302, %jit3A_303, %jit3A_300 : i32
    %rem3A_305 = arith.remsi %add3A_275, %select_n3A_304 : i32
    %ne3A_306 = arith.constant 0 : i32
    %ne3A_307 = arith.cmpi ne, %rem3A_305, %ne3A_306 : i32
    %lt3A_308 = arith.constant 0 : i32
    %lt3A_309 = arith.cmpi slt, %rem3A_305, %lt3A_308 : i32
    %lt3A_310 = arith.constant 0 : i32
    %lt3A_311 = arith.cmpi slt, %select_n3A_304, %lt3A_310 : i32
    %ne3A_312 = arith.xori %lt3A_309, %lt3A_311 : i1
    %and3A_313 = arith.andi %ne3A_312, %ne3A_307 : i1
    %add3A_314 = arith.addi %rem3A_305, %select_n3A_304 : i32
    %select_n3A_315 = arith.select %and3A_313, %add3A_314, %rem3A_305 : i32
    %mul3A_316 = arith.constant 64 : i32
    %mul3A_317 = arith.muli %select_n3A_315, %mul3A_316 : i32
    %multiple_of3A_318 = tpu.assume_multiple %mul3A_317, 64 : i32
    %dma_wait3A_319 = arith.constant 6016 : i32
    %dma_wait3A_320 = tpu.memref_slice %arg5[%dma_wait3A_319] : memref<6400xi32, #tpu.memory_space<vmem>> -> memref<64xi32, #tpu.memory_space<vmem>>
    %dma_wait3A_321 = arith.constant 0 : i32
    %dma_wait3A_322 = arith.constant 0 : i32
    %dma_wait3A_323 = tpu.memref_slice %arg3[%dma_wait3A_321, %dma_wait3A_322] : memref<100000x128xf32, #tpu.memory_space<hbm>> -> memref<100000x128xf32, #tpu.memory_space<hbm>>
    tpu.wait_indirect_dma semaphore(%arg20 : memref<!tpu.dma_semaphore, #tpu.memory_space<semaphore_mem>>) src(%dma_wait3A_323 : memref<100000x128xf32, #tpu.memory_space<hbm>>) dst(%arg10 : memref<64x128xf32, #tpu.memory_space<vmem>>)
    %dma_start3A_324 = arith.constant 0 : i32
    %dma_start3A_325 = tpu.memref_slice %arg4[%select_n3A_299, %multiple_of3A_318, %dma_start3A_324] : memref<50x4096x128xf32, #tpu.memory_space<hbm>> -> memref<1x64x128xf32, #tpu.memory_space<hbm>>
    %dma_start3A_326 = tpu.memref_squeeze %dma_start3A_325 : memref<1x64x128xf32, #tpu.memory_space<hbm>> -> memref<64x128xf32, #tpu.memory_space<hbm>>
    %dma_start3A_327 = arith.constant 0 : i32
    %dma_start3A_328 = tpu.memref_slice %arg4[%select_n3A_299, %multiple_of3A_318, %dma_start3A_327] : memref<50x4096x128xf32, #tpu.memory_space<hbm>> -> memref<1x64x128xf32, #tpu.memory_space<hbm>>
    %dma_start3A_329 = tpu.memref_squeeze %dma_start3A_328 : memref<1x64x128xf32, #tpu.memory_space<hbm>> -> memref<64x128xf32, #tpu.memory_space<hbm>>
    tpu.enqueue_dma source(%arg10 : memref<64x128xf32, #tpu.memory_space<vmem>>) target(%dma_start3A_329 : memref<64x128xf32, #tpu.memory_space<hbm>>) target_semaphore(%arg30 : memref<!tpu.dma_semaphore, #tpu.memory_space<semaphore_mem>>)
    %add3A_330 = arith.constant 95 : i32
    %add3A_331 = arith.addi %multiple_of3A_5, %add3A_330 : i32
    %jit3A_332 = arith.constant 64 : i32
    %div3A_333 = arith.divsi %add3A_331, %jit3A_332 : i32
    %sign3A_334 = arith.constant 0 : i32
    %sign3A_335 = arith.cmpi sgt, %add3A_331, %sign3A_334 : i32
    %sign3A_336 = arith.extui %sign3A_335 : i1 to i32
    %sign3A_337 = arith.constant 0 : i32
    %sign3A_338 = arith.cmpi slt, %add3A_331, %sign3A_337 : i32
    %sign3A_339 = arith.extui %sign3A_338 : i1 to i32
    %sign3A_340 = arith.subi %sign3A_336, %sign3A_339 : i32
    %sign3A_341 = arith.constant 0 : i32
    %sign3A_342 = arith.cmpi sgt, %jit3A_332, %sign3A_341 : i32
    %sign3A_343 = arith.extui %sign3A_342 : i1 to i32
    %sign3A_344 = arith.constant 0 : i32
    %sign3A_345 = arith.cmpi slt, %jit3A_332, %sign3A_344 : i32
    %sign3A_346 = arith.extui %sign3A_345 : i1 to i32
    %sign3A_347 = arith.subi %sign3A_343, %sign3A_346 : i32
    %ne3A_348 = arith.cmpi ne, %sign3A_340, %sign3A_347 : i32
    %rem3A_349 = arith.remsi %add3A_331, %jit3A_332 : i32
    %ne3A_350 = arith.constant 0 : i32
    %ne3A_351 = arith.cmpi ne, %rem3A_349, %ne3A_350 : i32
    %and3A_352 = arith.andi %ne3A_348, %ne3A_351 : i1
    %sub3A_353 = arith.constant 1 : i32
    %sub3A_354 = arith.subi %div3A_333, %sub3A_353 : i32
    %select_n3A_355 = arith.select %and3A_352, %sub3A_354, %div3A_333 : i32
    %jit3A_356 = arith.constant 64 : i32
    %eq3A_357 = arith.constant 0 : i32
    %eq3A_358 = arith.cmpi eq, %jit3A_356, %eq3A_357 : i32
    %jit3A_359 = arith.constant 1 : i32
    %select_n3A_360 = arith.select %eq3A_358, %jit3A_359, %jit3A_356 : i32
    %rem3A_361 = arith.remsi %add3A_331, %select_n3A_360 : i32
    %ne3A_362 = arith.constant 0 : i32
    %ne3A_363 = arith.cmpi ne, %rem3A_361, %ne3A_362 : i32
    %lt3A_364 = arith.constant 0 : i32
    %lt3A_365 = arith.cmpi slt, %rem3A_361, %lt3A_364 : i32
    %lt3A_366 = arith.constant 0 : i32
    %lt3A_367 = arith.cmpi slt, %select_n3A_360, %lt3A_366 : i32
    %ne3A_368 = arith.xori %lt3A_365, %lt3A_367 : i1
    %and3A_369 = arith.andi %ne3A_368, %ne3A_363 : i1
    %add3A_370 = arith.addi %rem3A_361, %select_n3A_360 : i32
    %select_n3A_371 = arith.select %and3A_369, %add3A_370, %rem3A_361 : i32
    %mul3A_372 = arith.constant 64 : i32
    %mul3A_373 = arith.muli %select_n3A_371, %mul3A_372 : i32
    %multiple_of3A_374 = tpu.assume_multiple %mul3A_373, 64 : i32
    %dma_wait3A_375 = arith.constant 6080 : i32
    %dma_wait3A_376 = tpu.memref_slice %arg5[%dma_wait3A_375] : memref<6400xi32, #tpu.memory_space<vmem>> -> memref<64xi32, #tpu.memory_space<vmem>>
    %dma_wait3A_377 = arith.constant 0 : i32
    %dma_wait3A_378 = arith.constant 0 : i32
    %dma_wait3A_379 = tpu.memref_slice %arg3[%dma_wait3A_377, %dma_wait3A_378] : memref<100000x128xf32, #tpu.memory_space<hbm>> -> memref<100000x128xf32, #tpu.memory_space<hbm>>
    tpu.wait_indirect_dma semaphore(%arg21 : memref<!tpu.dma_semaphore, #tpu.memory_space<semaphore_mem>>) src(%dma_wait3A_379 : memref<100000x128xf32, #tpu.memory_space<hbm>>) dst(%arg11 : memref<64x128xf32, #tpu.memory_space<vmem>>)
    %dma_start3A_380 = arith.constant 0 : i32
    %dma_start3A_381 = tpu.memref_slice %arg4[%select_n3A_355, %multiple_of3A_374, %dma_start3A_380] : memref<50x4096x128xf32, #tpu.memory_space<hbm>> -> memref<1x64x128xf32, #tpu.memory_space<hbm>>
    %dma_start3A_382 = tpu.memref_squeeze %dma_start3A_381 : memref<1x64x128xf32, #tpu.memory_space<hbm>> -> memref<64x128xf32, #tpu.memory_space<hbm>>
    %dma_start3A_383 = arith.constant 0 : i32
    %dma_start3A_384 = tpu.memref_slice %arg4[%select_n3A_355, %multiple_of3A_374, %dma_start3A_383] : memref<50x4096x128xf32, #tpu.memory_space<hbm>> -> memref<1x64x128xf32, #tpu.memory_space<hbm>>
    %dma_start3A_385 = tpu.memref_squeeze %dma_start3A_384 : memref<1x64x128xf32, #tpu.memory_space<hbm>> -> memref<64x128xf32, #tpu.memory_space<hbm>>
    tpu.enqueue_dma source(%arg11 : memref<64x128xf32, #tpu.memory_space<vmem>>) target(%dma_start3A_385 : memref<64x128xf32, #tpu.memory_space<hbm>>) target_semaphore(%arg31 : memref<!tpu.dma_semaphore, #tpu.memory_space<semaphore_mem>>)
    %add3A_386 = arith.constant 96 : i32
    %add3A_387 = arith.addi %multiple_of3A_5, %add3A_386 : i32
    %jit3A_388 = arith.constant 64 : i32
    %div3A_389 = arith.divsi %add3A_387, %jit3A_388 : i32
    %sign3A_390 = arith.constant 0 : i32
    %sign3A_391 = arith.cmpi sgt, %add3A_387, %sign3A_390 : i32
    %sign3A_392 = arith.extui %sign3A_391 : i1 to i32
    %sign3A_393 = arith.constant 0 : i32
    %sign3A_394 = arith.cmpi slt, %add3A_387, %sign3A_393 : i32
    %sign3A_395 = arith.extui %sign3A_394 : i1 to i32
    %sign3A_396 = arith.subi %sign3A_392, %sign3A_395 : i32
    %sign3A_397 = arith.constant 0 : i32
    %sign3A_398 = arith.cmpi sgt, %jit3A_388, %sign3A_397 : i32
    %sign3A_399 = arith.extui %sign3A_398 : i1 to i32
    %sign3A_400 = arith.constant 0 : i32
    %sign3A_401 = arith.cmpi slt, %jit3A_388, %sign3A_400 : i32
    %sign3A_402 = arith.extui %sign3A_401 : i1 to i32
    %sign3A_403 = arith.subi %sign3A_399, %sign3A_402 : i32
    %ne3A_404 = arith.cmpi ne, %sign3A_396, %sign3A_403 : i32
    %rem3A_405 = arith.remsi %add3A_387, %jit3A_388 : i32
    %ne3A_406 = arith.constant 0 : i32
    %ne3A_407 = arith.cmpi ne, %rem3A_405, %ne3A_406 : i32
    %and3A_408 = arith.andi %ne3A_404, %ne3A_407 : i1
    %sub3A_409 = arith.constant 1 : i32
    %sub3A_410 = arith.subi %div3A_389, %sub3A_409 : i32
    %select_n3A_411 = arith.select %and3A_408, %sub3A_410, %div3A_389 : i32
    %jit3A_412 = arith.constant 64 : i32
    %eq3A_413 = arith.constant 0 : i32
    %eq3A_414 = arith.cmpi eq, %jit3A_412, %eq3A_413 : i32
    %jit3A_415 = arith.constant 1 : i32
    %select_n3A_416 = arith.select %eq3A_414, %jit3A_415, %jit3A_412 : i32
    %rem3A_417 = arith.remsi %add3A_387, %select_n3A_416 : i32
    %ne3A_418 = arith.constant 0 : i32
    %ne3A_419 = arith.cmpi ne, %rem3A_417, %ne3A_418 : i32
    %lt3A_420 = arith.constant 0 : i32
    %lt3A_421 = arith.cmpi slt, %rem3A_417, %lt3A_420 : i32
    %lt3A_422 = arith.constant 0 : i32
    %lt3A_423 = arith.cmpi slt, %select_n3A_416, %lt3A_422 : i32
    %ne3A_424 = arith.xori %lt3A_421, %lt3A_423 : i1
    %and3A_425 = arith.andi %ne3A_424, %ne3A_419 : i1
    %add3A_426 = arith.addi %rem3A_417, %select_n3A_416 : i32
    %select_n3A_427 = arith.select %and3A_425, %add3A_426, %rem3A_417 : i32
    %mul3A_428 = arith.constant 64 : i32
    %mul3A_429 = arith.muli %select_n3A_427, %mul3A_428 : i32
    %multiple_of3A_430 = tpu.assume_multiple %mul3A_429, 64 : i32
    %dma_wait3A_431 = arith.constant 6144 : i32
    %dma_wait3A_432 = tpu.memref_slice %arg5[%dma_wait3A_431] : memref<6400xi32, #tpu.memory_space<vmem>> -> memref<64xi32, #tpu.memory_space<vmem>>
    %dma_wait3A_433 = arith.constant 0 : i32
    %dma_wait3A_434 = arith.constant 0 : i32
    %dma_wait3A_435 = tpu.memref_slice %arg3[%dma_wait3A_433, %dma_wait3A_434] : memref<100000x128xf32, #tpu.memory_space<hbm>> -> memref<100000x128xf32, #tpu.memory_space<hbm>>
    tpu.wait_indirect_dma semaphore(%arg22 : memref<!tpu.dma_semaphore, #tpu.memory_space<semaphore_mem>>) src(%dma_wait3A_435 : memref<100000x128xf32, #tpu.memory_space<hbm>>) dst(%arg12 : memref<64x128xf32, #tpu.memory_space<vmem>>)
    %dma_start3A_436 = arith.constant 0 : i32
    %dma_start3A_437 = tpu.memref_slice %arg4[%select_n3A_411, %multiple_of3A_430, %dma_start3A_436] : memref<50x4096x128xf32, #tpu.memory_space<hbm>> -> memref<1x64x128xf32, #tpu.memory_space<hbm>>
    %dma_start3A_438 = tpu.memref_squeeze %dma_start3A_437 : memref<1x64x128xf32, #tpu.memory_space<hbm>> -> memref<64x128xf32, #tpu.memory_space<hbm>>
    %dma_start3A_439 = arith.constant 0 : i32
    %dma_start3A_440 = tpu.memref_slice %arg4[%select_n3A_411, %multiple_of3A_430, %dma_start3A_439] : memref<50x4096x128xf32, #tpu.memory_space<hbm>> -> memref<1x64x128xf32, #tpu.memory_space<hbm>>
    %dma_start3A_441 = tpu.memref_squeeze %dma_start3A_440 : memref<1x64x128xf32, #tpu.memory_space<hbm>> -> memref<64x128xf32, #tpu.memory_space<hbm>>
    tpu.enqueue_dma source(%arg12 : memref<64x128xf32, #tpu.memory_space<vmem>>) target(%dma_start3A_441 : memref<64x128xf32, #tpu.memory_space<hbm>>) target_semaphore(%arg32 : memref<!tpu.dma_semaphore, #tpu.memory_space<semaphore_mem>>)
    %add3A_442 = arith.constant 97 : i32
    %add3A_443 = arith.addi %multiple_of3A_5, %add3A_442 : i32
    %jit3A_444 = arith.constant 64 : i32
    %div3A_445 = arith.divsi %add3A_443, %jit3A_444 : i32
    %sign3A_446 = arith.constant 0 : i32
    %sign3A_447 = arith.cmpi sgt, %add3A_443, %sign3A_446 : i32
    %sign3A_448 = arith.extui %sign3A_447 : i1 to i32
    %sign3A_449 = arith.constant 0 : i32
    %sign3A_450 = arith.cmpi slt, %add3A_443, %sign3A_449 : i32
    %sign3A_451 = arith.extui %sign3A_450 : i1 to i32
    %sign3A_452 = arith.subi %sign3A_448, %sign3A_451 : i32
    %sign3A_453 = arith.constant 0 : i32
    %sign3A_454 = arith.cmpi sgt, %jit3A_444, %sign3A_453 : i32
    %sign3A_455 = arith.extui %sign3A_454 : i1 to i32
    %sign3A_456 = arith.constant 0 : i32
    %sign3A_457 = arith.cmpi slt, %jit3A_444, %sign3A_456 : i32
    %sign3A_458 = arith.extui %sign3A_457 : i1 to i32
    %sign3A_459 = arith.subi %sign3A_455, %sign3A_458 : i32
    %ne3A_460 = arith.cmpi ne, %sign3A_452, %sign3A_459 : i32
    %rem3A_461 = arith.remsi %add3A_443, %jit3A_444 : i32
    %ne3A_462 = arith.constant 0 : i32
    %ne3A_463 = arith.cmpi ne, %rem3A_461, %ne3A_462 : i32
    %and3A_464 = arith.andi %ne3A_460, %ne3A_463 : i1
    %sub3A_465 = arith.constant 1 : i32
    %sub3A_466 = arith.subi %div3A_445, %sub3A_465 : i32
    %select_n3A_467 = arith.select %and3A_464, %sub3A_466, %div3A_445 : i32
    %jit3A_468 = arith.constant 64 : i32
    %eq3A_469 = arith.constant 0 : i32
    %eq3A_470 = arith.cmpi eq, %jit3A_468, %eq3A_469 : i32
    %jit3A_471 = arith.constant 1 : i32
    %select_n3A_472 = arith.select %eq3A_470, %jit3A_471, %jit3A_468 : i32
    %rem3A_473 = arith.remsi %add3A_443, %select_n3A_472 : i32
    %ne3A_474 = arith.constant 0 : i32
    %ne3A_475 = arith.cmpi ne, %rem3A_473, %ne3A_474 : i32
    %lt3A_476 = arith.constant 0 : i32
    %lt3A_477 = arith.cmpi slt, %rem3A_473, %lt3A_476 : i32
    %lt3A_478 = arith.constant 0 : i32
    %lt3A_479 = arith.cmpi slt, %select_n3A_472, %lt3A_478 : i32
    %ne3A_480 = arith.xori %lt3A_477, %lt3A_479 : i1
    %and3A_481 = arith.andi %ne3A_480, %ne3A_475 : i1
    %add3A_482 = arith.addi %rem3A_473, %select_n3A_472 : i32
    %select_n3A_483 = arith.select %and3A_481, %add3A_482, %rem3A_473 : i32
    %mul3A_484 = arith.constant 64 : i32
    %mul3A_485 = arith.muli %select_n3A_483, %mul3A_484 : i32
    %multiple_of3A_486 = tpu.assume_multiple %mul3A_485, 64 : i32
    %dma_wait3A_487 = arith.constant 6208 : i32
    %dma_wait3A_488 = tpu.memref_slice %arg5[%dma_wait3A_487] : memref<6400xi32, #tpu.memory_space<vmem>> -> memref<64xi32, #tpu.memory_space<vmem>>
    %dma_wait3A_489 = arith.constant 0 : i32
    %dma_wait3A_490 = arith.constant 0 : i32
    %dma_wait3A_491 = tpu.memref_slice %arg3[%dma_wait3A_489, %dma_wait3A_490] : memref<100000x128xf32, #tpu.memory_space<hbm>> -> memref<100000x128xf32, #tpu.memory_space<hbm>>
    tpu.wait_indirect_dma semaphore(%arg23 : memref<!tpu.dma_semaphore, #tpu.memory_space<semaphore_mem>>) src(%dma_wait3A_491 : memref<100000x128xf32, #tpu.memory_space<hbm>>) dst(%arg13 : memref<64x128xf32, #tpu.memory_space<vmem>>)
    %dma_start3A_492 = arith.constant 0 : i32
    %dma_start3A_493 = tpu.memref_slice %arg4[%select_n3A_467, %multiple_of3A_486, %dma_start3A_492] : memref<50x4096x128xf32, #tpu.memory_space<hbm>> -> memref<1x64x128xf32, #tpu.memory_space<hbm>>
    %dma_start3A_494 = tpu.memref_squeeze %dma_start3A_493 : memref<1x64x128xf32, #tpu.memory_space<hbm>> -> memref<64x128xf32, #tpu.memory_space<hbm>>
    %dma_start3A_495 = arith.constant 0 : i32
    %dma_start3A_496 = tpu.memref_slice %arg4[%select_n3A_467, %multiple_of3A_486, %dma_start3A_495] : memref<50x4096x128xf32, #tpu.memory_space<hbm>> -> memref<1x64x128xf32, #tpu.memory_space<hbm>>
    %dma_start3A_497 = tpu.memref_squeeze %dma_start3A_496 : memref<1x64x128xf32, #tpu.memory_space<hbm>> -> memref<64x128xf32, #tpu.memory_space<hbm>>
    tpu.enqueue_dma source(%arg13 : memref<64x128xf32, #tpu.memory_space<vmem>>) target(%dma_start3A_497 : memref<64x128xf32, #tpu.memory_space<hbm>>) target_semaphore(%arg33 : memref<!tpu.dma_semaphore, #tpu.memory_space<semaphore_mem>>)
    %add3A_498 = arith.constant 98 : i32
    %add3A_499 = arith.addi %multiple_of3A_5, %add3A_498 : i32
    %jit3A_500 = arith.constant 64 : i32
    %div3A_501 = arith.divsi %add3A_499, %jit3A_500 : i32
    %sign3A_502 = arith.constant 0 : i32
    %sign3A_503 = arith.cmpi sgt, %add3A_499, %sign3A_502 : i32
    %sign3A_504 = arith.extui %sign3A_503 : i1 to i32
    %sign3A_505 = arith.constant 0 : i32
    %sign3A_506 = arith.cmpi slt, %add3A_499, %sign3A_505 : i32
    %sign3A_507 = arith.extui %sign3A_506 : i1 to i32
    %sign3A_508 = arith.subi %sign3A_504, %sign3A_507 : i32
    %sign3A_509 = arith.constant 0 : i32
    %sign3A_510 = arith.cmpi sgt, %jit3A_500, %sign3A_509 : i32
    %sign3A_511 = arith.extui %sign3A_510 : i1 to i32
    %sign3A_512 = arith.constant 0 : i32
    %sign3A_513 = arith.cmpi slt, %jit3A_500, %sign3A_512 : i32
    %sign3A_514 = arith.extui %sign3A_513 : i1 to i32
    %sign3A_515 = arith.subi %sign3A_511, %sign3A_514 : i32
    %ne3A_516 = arith.cmpi ne, %sign3A_508, %sign3A_515 : i32
    %rem3A_517 = arith.remsi %add3A_499, %jit3A_500 : i32
    %ne3A_518 = arith.constant 0 : i32
    %ne3A_519 = arith.cmpi ne, %rem3A_517, %ne3A_518 : i32
    %and3A_520 = arith.andi %ne3A_516, %ne3A_519 : i1
    %sub3A_521 = arith.constant 1 : i32
    %sub3A_522 = arith.subi %div3A_501, %sub3A_521 : i32
    %select_n3A_523 = arith.select %and3A_520, %sub3A_522, %div3A_501 : i32
    %jit3A_524 = arith.constant 64 : i32
    %eq3A_525 = arith.constant 0 : i32
    %eq3A_526 = arith.cmpi eq, %jit3A_524, %eq3A_525 : i32
    %jit3A_527 = arith.constant 1 : i32
    %select_n3A_528 = arith.select %eq3A_526, %jit3A_527, %jit3A_524 : i32
    %rem3A_529 = arith.remsi %add3A_499, %select_n3A_528 : i32
    %ne3A_530 = arith.constant 0 : i32
    %ne3A_531 = arith.cmpi ne, %rem3A_529, %ne3A_530 : i32
    %lt3A_532 = arith.constant 0 : i32
    %lt3A_533 = arith.cmpi slt, %rem3A_529, %lt3A_532 : i32
    %lt3A_534 = arith.constant 0 : i32
    %lt3A_535 = arith.cmpi slt, %select_n3A_528, %lt3A_534 : i32
    %ne3A_536 = arith.xori %lt3A_533, %lt3A_535 : i1
    %and3A_537 = arith.andi %ne3A_536, %ne3A_531 : i1
    %add3A_538 = arith.addi %rem3A_529, %select_n3A_528 : i32
    %select_n3A_539 = arith.select %and3A_537, %add3A_538, %rem3A_529 : i32
    %mul3A_540 = arith.constant 64 : i32
    %mul3A_541 = arith.muli %select_n3A_539, %mul3A_540 : i32
    %multiple_of3A_542 = tpu.assume_multiple %mul3A_541, 64 : i32
    %dma_wait3A_543 = arith.constant 6272 : i32
    %dma_wait3A_544 = tpu.memref_slice %arg5[%dma_wait3A_543] : memref<6400xi32, #tpu.memory_space<vmem>> -> memref<64xi32, #tpu.memory_space<vmem>>
    %dma_wait3A_545 = arith.constant 0 : i32
    %dma_wait3A_546 = arith.constant 0 : i32
    %dma_wait3A_547 = tpu.memref_slice %arg3[%dma_wait3A_545, %dma_wait3A_546] : memref<100000x128xf32, #tpu.memory_space<hbm>> -> memref<100000x128xf32, #tpu.memory_space<hbm>>
    tpu.wait_indirect_dma semaphore(%arg24 : memref<!tpu.dma_semaphore, #tpu.memory_space<semaphore_mem>>) src(%dma_wait3A_547 : memref<100000x128xf32, #tpu.memory_space<hbm>>) dst(%arg14 : memref<64x128xf32, #tpu.memory_space<vmem>>)
    %dma_start3A_548 = arith.constant 0 : i32
    %dma_start3A_549 = tpu.memref_slice %arg4[%select_n3A_523, %multiple_of3A_542, %dma_start3A_548] : memref<50x4096x128xf32, #tpu.memory_space<hbm>> -> memref<1x64x128xf32, #tpu.memory_space<hbm>>
    %dma_start3A_550 = tpu.memref_squeeze %dma_start3A_549 : memref<1x64x128xf32, #tpu.memory_space<hbm>> -> memref<64x128xf32, #tpu.memory_space<hbm>>
    %dma_start3A_551 = arith.constant 0 : i32
    %dma_start3A_552 = tpu.memref_slice %arg4[%select_n3A_523, %multiple_of3A_542, %dma_start3A_551] : memref<50x4096x128xf32, #tpu.memory_space<hbm>> -> memref<1x64x128xf32, #tpu.memory_space<hbm>>
    %dma_start3A_553 = tpu.memref_squeeze %dma_start3A_552 : memref<1x64x128xf32, #tpu.memory_space<hbm>> -> memref<64x128xf32, #tpu.memory_space<hbm>>
    tpu.enqueue_dma source(%arg14 : memref<64x128xf32, #tpu.memory_space<vmem>>) target(%dma_start3A_553 : memref<64x128xf32, #tpu.memory_space<hbm>>) target_semaphore(%arg34 : memref<!tpu.dma_semaphore, #tpu.memory_space<semaphore_mem>>)
    %add3A_554 = arith.constant 99 : i32
    %add3A_555 = arith.addi %multiple_of3A_5, %add3A_554 : i32
    %jit3A_556 = arith.constant 64 : i32
    %div3A_557 = arith.divsi %add3A_555, %jit3A_556 : i32
    %sign3A_558 = arith.constant 0 : i32
    %sign3A_559 = arith.cmpi sgt, %add3A_555, %sign3A_558 : i32
    %sign3A_560 = arith.extui %sign3A_559 : i1 to i32
    %sign3A_561 = arith.constant 0 : i32
    %sign3A_562 = arith.cmpi slt, %add3A_555, %sign3A_561 : i32
    %sign3A_563 = arith.extui %sign3A_562 : i1 to i32
    %sign3A_564 = arith.subi %sign3A_560, %sign3A_563 : i32
    %sign3A_565 = arith.constant 0 : i32
    %sign3A_566 = arith.cmpi sgt, %jit3A_556, %sign3A_565 : i32
    %sign3A_567 = arith.extui %sign3A_566 : i1 to i32
    %sign3A_568 = arith.constant 0 : i32
    %sign3A_569 = arith.cmpi slt, %jit3A_556, %sign3A_568 : i32
    %sign3A_570 = arith.extui %sign3A_569 : i1 to i32
    %sign3A_571 = arith.subi %sign3A_567, %sign3A_570 : i32
    %ne3A_572 = arith.cmpi ne, %sign3A_564, %sign3A_571 : i32
    %rem3A_573 = arith.remsi %add3A_555, %jit3A_556 : i32
    %ne3A_574 = arith.constant 0 : i32
    %ne3A_575 = arith.cmpi ne, %rem3A_573, %ne3A_574 : i32
    %and3A_576 = arith.andi %ne3A_572, %ne3A_575 : i1
    %sub3A_577 = arith.constant 1 : i32
    %sub3A_578 = arith.subi %div3A_557, %sub3A_577 : i32
    %select_n3A_579 = arith.select %and3A_576, %sub3A_578, %div3A_557 : i32
    %jit3A_580 = arith.constant 64 : i32
    %eq3A_581 = arith.constant 0 : i32
    %eq3A_582 = arith.cmpi eq, %jit3A_580, %eq3A_581 : i32
    %jit3A_583 = arith.constant 1 : i32
    %select_n3A_584 = arith.select %eq3A_582, %jit3A_583, %jit3A_580 : i32
    %rem3A_585 = arith.remsi %add3A_555, %select_n3A_584 : i32
    %ne3A_586 = arith.constant 0 : i32
    %ne3A_587 = arith.cmpi ne, %rem3A_585, %ne3A_586 : i32
    %lt3A_588 = arith.constant 0 : i32
    %lt3A_589 = arith.cmpi slt, %rem3A_585, %lt3A_588 : i32
    %lt3A_590 = arith.constant 0 : i32
    %lt3A_591 = arith.cmpi slt, %select_n3A_584, %lt3A_590 : i32
    %ne3A_592 = arith.xori %lt3A_589, %lt3A_591 : i1
    %and3A_593 = arith.andi %ne3A_592, %ne3A_587 : i1
    %add3A_594 = arith.addi %rem3A_585, %select_n3A_584 : i32
    %select_n3A_595 = arith.select %and3A_593, %add3A_594, %rem3A_585 : i32
    %mul3A_596 = arith.constant 64 : i32
    %mul3A_597 = arith.muli %select_n3A_595, %mul3A_596 : i32
    %multiple_of3A_598 = tpu.assume_multiple %mul3A_597, 64 : i32
    %dma_wait3A_599 = arith.constant 6336 : i32
    %dma_wait3A_600 = tpu.memref_slice %arg5[%dma_wait3A_599] : memref<6400xi32, #tpu.memory_space<vmem>> -> memref<64xi32, #tpu.memory_space<vmem>>
    %dma_wait3A_601 = arith.constant 0 : i32
    %dma_wait3A_602 = arith.constant 0 : i32
    %dma_wait3A_603 = tpu.memref_slice %arg3[%dma_wait3A_601, %dma_wait3A_602] : memref<100000x128xf32, #tpu.memory_space<hbm>> -> memref<100000x128xf32, #tpu.memory_space<hbm>>
    tpu.wait_indirect_dma semaphore(%arg25 : memref<!tpu.dma_semaphore, #tpu.memory_space<semaphore_mem>>) src(%dma_wait3A_603 : memref<100000x128xf32, #tpu.memory_space<hbm>>) dst(%arg15 : memref<64x128xf32, #tpu.memory_space<vmem>>)
    %dma_start3A_604 = arith.constant 0 : i32
    %dma_start3A_605 = tpu.memref_slice %arg4[%select_n3A_579, %multiple_of3A_598, %dma_start3A_604] : memref<50x4096x128xf32, #tpu.memory_space<hbm>> -> memref<1x64x128xf32, #tpu.memory_space<hbm>>
    %dma_start3A_606 = tpu.memref_squeeze %dma_start3A_605 : memref<1x64x128xf32, #tpu.memory_space<hbm>> -> memref<64x128xf32, #tpu.memory_space<hbm>>
    %dma_start3A_607 = arith.constant 0 : i32
    %dma_start3A_608 = tpu.memref_slice %arg4[%select_n3A_579, %multiple_of3A_598, %dma_start3A_607] : memref<50x4096x128xf32, #tpu.memory_space<hbm>> -> memref<1x64x128xf32, #tpu.memory_space<hbm>>
    %dma_start3A_609 = tpu.memref_squeeze %dma_start3A_608 : memref<1x64x128xf32, #tpu.memory_space<hbm>> -> memref<64x128xf32, #tpu.memory_space<hbm>>
    tpu.enqueue_dma source(%arg15 : memref<64x128xf32, #tpu.memory_space<vmem>>) target(%dma_start3A_609 : memref<64x128xf32, #tpu.memory_space<hbm>>) target_semaphore(%arg35 : memref<!tpu.dma_semaphore, #tpu.memory_space<semaphore_mem>>)
    %add3A_610 = arith.constant 90 : i32
    %add3A_611 = arith.addi %multiple_of3A_5, %add3A_610 : i32
    %jit3A_612 = arith.constant 64 : i32
    %div3A_613 = arith.divsi %add3A_611, %jit3A_612 : i32
    %sign3A_614 = arith.constant 0 : i32
    %sign3A_615 = arith.cmpi sgt, %add3A_611, %sign3A_614 : i32
    %sign3A_616 = arith.extui %sign3A_615 : i1 to i32
    %sign3A_617 = arith.constant 0 : i32
    %sign3A_618 = arith.cmpi slt, %add3A_611, %sign3A_617 : i32
    %sign3A_619 = arith.extui %sign3A_618 : i1 to i32
    %sign3A_620 = arith.subi %sign3A_616, %sign3A_619 : i32
    %sign3A_621 = arith.constant 0 : i32
    %sign3A_622 = arith.cmpi sgt, %jit3A_612, %sign3A_621 : i32
    %sign3A_623 = arith.extui %sign3A_622 : i1 to i32
    %sign3A_624 = arith.constant 0 : i32
    %sign3A_625 = arith.cmpi slt, %jit3A_612, %sign3A_624 : i32
    %sign3A_626 = arith.extui %sign3A_625 : i1 to i32
    %sign3A_627 = arith.subi %sign3A_623, %sign3A_626 : i32
    %ne3A_628 = arith.cmpi ne, %sign3A_620, %sign3A_627 : i32
    %rem3A_629 = arith.remsi %add3A_611, %jit3A_612 : i32
    %ne3A_630 = arith.constant 0 : i32
    %ne3A_631 = arith.cmpi ne, %rem3A_629, %ne3A_630 : i32
    %and3A_632 = arith.andi %ne3A_628, %ne3A_631 : i1
    %sub3A_633 = arith.constant 1 : i32
    %sub3A_634 = arith.subi %div3A_613, %sub3A_633 : i32
    %select_n3A_635 = arith.select %and3A_632, %sub3A_634, %div3A_613 : i32
    %jit3A_636 = arith.constant 64 : i32
    %eq3A_637 = arith.constant 0 : i32
    %eq3A_638 = arith.cmpi eq, %jit3A_636, %eq3A_637 : i32
    %jit3A_639 = arith.constant 1 : i32
    %select_n3A_640 = arith.select %eq3A_638, %jit3A_639, %jit3A_636 : i32
    %rem3A_641 = arith.remsi %add3A_611, %select_n3A_640 : i32
    %ne3A_642 = arith.constant 0 : i32
    %ne3A_643 = arith.cmpi ne, %rem3A_641, %ne3A_642 : i32
    %lt3A_644 = arith.constant 0 : i32
    %lt3A_645 = arith.cmpi slt, %rem3A_641, %lt3A_644 : i32
    %lt3A_646 = arith.constant 0 : i32
    %lt3A_647 = arith.cmpi slt, %select_n3A_640, %lt3A_646 : i32
    %ne3A_648 = arith.xori %lt3A_645, %lt3A_647 : i1
    %and3A_649 = arith.andi %ne3A_648, %ne3A_643 : i1
    %add3A_650 = arith.addi %rem3A_641, %select_n3A_640 : i32
    %select_n3A_651 = arith.select %and3A_649, %add3A_650, %rem3A_641 : i32
    %mul3A_652 = arith.constant 64 : i32
    %mul3A_653 = arith.muli %select_n3A_651, %mul3A_652 : i32
    %multiple_of3A_654 = tpu.assume_multiple %mul3A_653, 64 : i32
    %dma_wait3A_655 = arith.constant 0 : i32
    %dma_wait3A_656 = tpu.memref_slice %arg4[%select_n3A_635, %multiple_of3A_654, %dma_wait3A_655] : memref<50x4096x128xf32, #tpu.memory_space<hbm>> -> memref<1x64x128xf32, #tpu.memory_space<hbm>>
    %dma_wait3A_657 = tpu.memref_squeeze %dma_wait3A_656 : memref<1x64x128xf32, #tpu.memory_space<hbm>> -> memref<64x128xf32, #tpu.memory_space<hbm>>
    %dma_wait3A_658 = arith.constant 0 : i32
    %dma_wait3A_659 = tpu.memref_slice %arg4[%select_n3A_635, %multiple_of3A_654, %dma_wait3A_658] : memref<50x4096x128xf32, #tpu.memory_space<hbm>> -> memref<1x64x128xf32, #tpu.memory_space<hbm>>
    %dma_wait3A_660 = tpu.memref_squeeze %dma_wait3A_659 : memref<1x64x128xf32, #tpu.memory_space<hbm>> -> memref<64x128xf32, #tpu.memory_space<hbm>>
    tpu.wait_dma2 semaphore(%arg26 : memref<!tpu.dma_semaphore, #tpu.memory_space<semaphore_mem>>) src(%arg6 : memref<64x128xf32, #tpu.memory_space<vmem>>) dst(%dma_wait3A_660 : memref<64x128xf32, #tpu.memory_space<hbm>>)
    %add3A_661 = arith.constant 91 : i32
    %add3A_662 = arith.addi %multiple_of3A_5, %add3A_661 : i32
    %jit3A_663 = arith.constant 64 : i32
    %div3A_664 = arith.divsi %add3A_662, %jit3A_663 : i32
    %sign3A_665 = arith.constant 0 : i32
    %sign3A_666 = arith.cmpi sgt, %add3A_662, %sign3A_665 : i32
    %sign3A_667 = arith.extui %sign3A_666 : i1 to i32
    %sign3A_668 = arith.constant 0 : i32
    %sign3A_669 = arith.cmpi slt, %add3A_662, %sign3A_668 : i32
    %sign3A_670 = arith.extui %sign3A_669 : i1 to i32
    %sign3A_671 = arith.subi %sign3A_667, %sign3A_670 : i32
    %sign3A_672 = arith.constant 0 : i32
    %sign3A_673 = arith.cmpi sgt, %jit3A_663, %sign3A_672 : i32
    %sign3A_674 = arith.extui %sign3A_673 : i1 to i32
    %sign3A_675 = arith.constant 0 : i32
    %sign3A_676 = arith.cmpi slt, %jit3A_663, %sign3A_675 : i32
    %sign3A_677 = arith.extui %sign3A_676 : i1 to i32
    %sign3A_678 = arith.subi %sign3A_674, %sign3A_677 : i32
    %ne3A_679 = arith.cmpi ne, %sign3A_671, %sign3A_678 : i32
    %rem3A_680 = arith.remsi %add3A_662, %jit3A_663 : i32
    %ne3A_681 = arith.constant 0 : i32
    %ne3A_682 = arith.cmpi ne, %rem3A_680, %ne3A_681 : i32
    %and3A_683 = arith.andi %ne3A_679, %ne3A_682 : i1
    %sub3A_684 = arith.constant 1 : i32
    %sub3A_685 = arith.subi %div3A_664, %sub3A_684 : i32
    %select_n3A_686 = arith.select %and3A_683, %sub3A_685, %div3A_664 : i32
    %jit3A_687 = arith.constant 64 : i32
    %eq3A_688 = arith.constant 0 : i32
    %eq3A_689 = arith.cmpi eq, %jit3A_687, %eq3A_688 : i32
    %jit3A_690 = arith.constant 1 : i32
    %select_n3A_691 = arith.select %eq3A_689, %jit3A_690, %jit3A_687 : i32
    %rem3A_692 = arith.remsi %add3A_662, %select_n3A_691 : i32
    %ne3A_693 = arith.constant 0 : i32
    %ne3A_694 = arith.cmpi ne, %rem3A_692, %ne3A_693 : i32
    %lt3A_695 = arith.constant 0 : i32
    %lt3A_696 = arith.cmpi slt, %rem3A_692, %lt3A_695 : i32
    %lt3A_697 = arith.constant 0 : i32
    %lt3A_698 = arith.cmpi slt, %select_n3A_691, %lt3A_697 : i32
    %ne3A_699 = arith.xori %lt3A_696, %lt3A_698 : i1
    %and3A_700 = arith.andi %ne3A_699, %ne3A_694 : i1
    %add3A_701 = arith.addi %rem3A_692, %select_n3A_691 : i32
    %select_n3A_702 = arith.select %and3A_700, %add3A_701, %rem3A_692 : i32
    %mul3A_703 = arith.constant 64 : i32
    %mul3A_704 = arith.muli %select_n3A_702, %mul3A_703 : i32
    %multiple_of3A_705 = tpu.assume_multiple %mul3A_704, 64 : i32
    %dma_wait3A_706 = arith.constant 0 : i32
    %dma_wait3A_707 = tpu.memref_slice %arg4[%select_n3A_686, %multiple_of3A_705, %dma_wait3A_706] : memref<50x4096x128xf32, #tpu.memory_space<hbm>> -> memref<1x64x128xf32, #tpu.memory_space<hbm>>
    %dma_wait3A_708 = tpu.memref_squeeze %dma_wait3A_707 : memref<1x64x128xf32, #tpu.memory_space<hbm>> -> memref<64x128xf32, #tpu.memory_space<hbm>>
    %dma_wait3A_709 = arith.constant 0 : i32
    %dma_wait3A_710 = tpu.memref_slice %arg4[%select_n3A_686, %multiple_of3A_705, %dma_wait3A_709] : memref<50x4096x128xf32, #tpu.memory_space<hbm>> -> memref<1x64x128xf32, #tpu.memory_space<hbm>>
    %dma_wait3A_711 = tpu.memref_squeeze %dma_wait3A_710 : memref<1x64x128xf32, #tpu.memory_space<hbm>> -> memref<64x128xf32, #tpu.memory_space<hbm>>
    tpu.wait_dma2 semaphore(%arg27 : memref<!tpu.dma_semaphore, #tpu.memory_space<semaphore_mem>>) src(%arg7 : memref<64x128xf32, #tpu.memory_space<vmem>>) dst(%dma_wait3A_711 : memref<64x128xf32, #tpu.memory_space<hbm>>)
    %add3A_712 = arith.constant 92 : i32
    %add3A_713 = arith.addi %multiple_of3A_5, %add3A_712 : i32
    %jit3A_714 = arith.constant 64 : i32
    %div3A_715 = arith.divsi %add3A_713, %jit3A_714 : i32
    %sign3A_716 = arith.constant 0 : i32
    %sign3A_717 = arith.cmpi sgt, %add3A_713, %sign3A_716 : i32
    %sign3A_718 = arith.extui %sign3A_717 : i1 to i32
    %sign3A_719 = arith.constant 0 : i32
    %sign3A_720 = arith.cmpi slt, %add3A_713, %sign3A_719 : i32
    %sign3A_721 = arith.extui %sign3A_720 : i1 to i32
    %sign3A_722 = arith.subi %sign3A_718, %sign3A_721 : i32
    %sign3A_723 = arith.constant 0 : i32
    %sign3A_724 = arith.cmpi sgt, %jit3A_714, %sign3A_723 : i32
    %sign3A_725 = arith.extui %sign3A_724 : i1 to i32
    %sign3A_726 = arith.constant 0 : i32
    %sign3A_727 = arith.cmpi slt, %jit3A_714, %sign3A_726 : i32
    %sign3A_728 = arith.extui %sign3A_727 : i1 to i32
    %sign3A_729 = arith.subi %sign3A_725, %sign3A_728 : i32
    %ne3A_730 = arith.cmpi ne, %sign3A_722, %sign3A_729 : i32
    %rem3A_731 = arith.remsi %add3A_713, %jit3A_714 : i32
    %ne3A_732 = arith.constant 0 : i32
    %ne3A_733 = arith.cmpi ne, %rem3A_731, %ne3A_732 : i32
    %and3A_734 = arith.andi %ne3A_730, %ne3A_733 : i1
    %sub3A_735 = arith.constant 1 : i32
    %sub3A_736 = arith.subi %div3A_715, %sub3A_735 : i32
    %select_n3A_737 = arith.select %and3A_734, %sub3A_736, %div3A_715 : i32
    %jit3A_738 = arith.constant 64 : i32
    %eq3A_739 = arith.constant 0 : i32
    %eq3A_740 = arith.cmpi eq, %jit3A_738, %eq3A_739 : i32
    %jit3A_741 = arith.constant 1 : i32
    %select_n3A_742 = arith.select %eq3A_740, %jit3A_741, %jit3A_738 : i32
    %rem3A_743 = arith.remsi %add3A_713, %select_n3A_742 : i32
    %ne3A_744 = arith.constant 0 : i32
    %ne3A_745 = arith.cmpi ne, %rem3A_743, %ne3A_744 : i32
    %lt3A_746 = arith.constant 0 : i32
    %lt3A_747 = arith.cmpi slt, %rem3A_743, %lt3A_746 : i32
    %lt3A_748 = arith.constant 0 : i32
    %lt3A_749 = arith.cmpi slt, %select_n3A_742, %lt3A_748 : i32
    %ne3A_750 = arith.xori %lt3A_747, %lt3A_749 : i1
    %and3A_751 = arith.andi %ne3A_750, %ne3A_745 : i1
    %add3A_752 = arith.addi %rem3A_743, %select_n3A_742 : i32
    %select_n3A_753 = arith.select %and3A_751, %add3A_752, %rem3A_743 : i32
    %mul3A_754 = arith.constant 64 : i32
    %mul3A_755 = arith.muli %select_n3A_753, %mul3A_754 : i32
    %multiple_of3A_756 = tpu.assume_multiple %mul3A_755, 64 : i32
    %dma_wait3A_757 = arith.constant 0 : i32
    %dma_wait3A_758 = tpu.memref_slice %arg4[%select_n3A_737, %multiple_of3A_756, %dma_wait3A_757] : memref<50x4096x128xf32, #tpu.memory_space<hbm>> -> memref<1x64x128xf32, #tpu.memory_space<hbm>>
    %dma_wait3A_759 = tpu.memref_squeeze %dma_wait3A_758 : memref<1x64x128xf32, #tpu.memory_space<hbm>> -> memref<64x128xf32, #tpu.memory_space<hbm>>
    %dma_wait3A_760 = arith.constant 0 : i32
    %dma_wait3A_761 = tpu.memref_slice %arg4[%select_n3A_737, %multiple_of3A_756, %dma_wait3A_760] : memref<50x4096x128xf32, #tpu.memory_space<hbm>> -> memref<1x64x128xf32, #tpu.memory_space<hbm>>
    %dma_wait3A_762 = tpu.memref_squeeze %dma_wait3A_761 : memref<1x64x128xf32, #tpu.memory_space<hbm>> -> memref<64x128xf32, #tpu.memory_space<hbm>>
    tpu.wait_dma2 semaphore(%arg28 : memref<!tpu.dma_semaphore, #tpu.memory_space<semaphore_mem>>) src(%arg8 : memref<64x128xf32, #tpu.memory_space<vmem>>) dst(%dma_wait3A_762 : memref<64x128xf32, #tpu.memory_space<hbm>>)
    %add3A_763 = arith.constant 93 : i32
    %add3A_764 = arith.addi %multiple_of3A_5, %add3A_763 : i32
    %jit3A_765 = arith.constant 64 : i32
    %div3A_766 = arith.divsi %add3A_764, %jit3A_765 : i32
    %sign3A_767 = arith.constant 0 : i32
    %sign3A_768 = arith.cmpi sgt, %add3A_764, %sign3A_767 : i32
    %sign3A_769 = arith.extui %sign3A_768 : i1 to i32
    %sign3A_770 = arith.constant 0 : i32
    %sign3A_771 = arith.cmpi slt, %add3A_764, %sign3A_770 : i32
    %sign3A_772 = arith.extui %sign3A_771 : i1 to i32
    %sign3A_773 = arith.subi %sign3A_769, %sign3A_772 : i32
    %sign3A_774 = arith.constant 0 : i32
    %sign3A_775 = arith.cmpi sgt, %jit3A_765, %sign3A_774 : i32
    %sign3A_776 = arith.extui %sign3A_775 : i1 to i32
    %sign3A_777 = arith.constant 0 : i32
    %sign3A_778 = arith.cmpi slt, %jit3A_765, %sign3A_777 : i32
    %sign3A_779 = arith.extui %sign3A_778 : i1 to i32
    %sign3A_780 = arith.subi %sign3A_776, %sign3A_779 : i32
    %ne3A_781 = arith.cmpi ne, %sign3A_773, %sign3A_780 : i32
    %rem3A_782 = arith.remsi %add3A_764, %jit3A_765 : i32
    %ne3A_783 = arith.constant 0 : i32
    %ne3A_784 = arith.cmpi ne, %rem3A_782, %ne3A_783 : i32
    %and3A_785 = arith.andi %ne3A_781, %ne3A_784 : i1
    %sub3A_786 = arith.constant 1 : i32
    %sub3A_787 = arith.subi %div3A_766, %sub3A_786 : i32
    %select_n3A_788 = arith.select %and3A_785, %sub3A_787, %div3A_766 : i32
    %jit3A_789 = arith.constant 64 : i32
    %eq3A_790 = arith.constant 0 : i32
    %eq3A_791 = arith.cmpi eq, %jit3A_789, %eq3A_790 : i32
    %jit3A_792 = arith.constant 1 : i32
    %select_n3A_793 = arith.select %eq3A_791, %jit3A_792, %jit3A_789 : i32
    %rem3A_794 = arith.remsi %add3A_764, %select_n3A_793 : i32
    %ne3A_795 = arith.constant 0 : i32
    %ne3A_796 = arith.cmpi ne, %rem3A_794, %ne3A_795 : i32
    %lt3A_797 = arith.constant 0 : i32
    %lt3A_798 = arith.cmpi slt, %rem3A_794, %lt3A_797 : i32
    %lt3A_799 = arith.constant 0 : i32
    %lt3A_800 = arith.cmpi slt, %select_n3A_793, %lt3A_799 : i32
    %ne3A_801 = arith.xori %lt3A_798, %lt3A_800 : i1
    %and3A_802 = arith.andi %ne3A_801, %ne3A_796 : i1
    %add3A_803 = arith.addi %rem3A_794, %select_n3A_793 : i32
    %select_n3A_804 = arith.select %and3A_802, %add3A_803, %rem3A_794 : i32
    %mul3A_805 = arith.constant 64 : i32
    %mul3A_806 = arith.muli %select_n3A_804, %mul3A_805 : i32
    %multiple_of3A_807 = tpu.assume_multiple %mul3A_806, 64 : i32
    %dma_wait3A_808 = arith.constant 0 : i32
    %dma_wait3A_809 = tpu.memref_slice %arg4[%select_n3A_788, %multiple_of3A_807, %dma_wait3A_808] : memref<50x4096x128xf32, #tpu.memory_space<hbm>> -> memref<1x64x128xf32, #tpu.memory_space<hbm>>
    %dma_wait3A_810 = tpu.memref_squeeze %dma_wait3A_809 : memref<1x64x128xf32, #tpu.memory_space<hbm>> -> memref<64x128xf32, #tpu.memory_space<hbm>>
    %dma_wait3A_811 = arith.constant 0 : i32
    %dma_wait3A_812 = tpu.memref_slice %arg4[%select_n3A_788, %multiple_of3A_807, %dma_wait3A_811] : memref<50x4096x128xf32, #tpu.memory_space<hbm>> -> memref<1x64x128xf32, #tpu.memory_space<hbm>>
    %dma_wait3A_813 = tpu.memref_squeeze %dma_wait3A_812 : memref<1x64x128xf32, #tpu.memory_space<hbm>> -> memref<64x128xf32, #tpu.memory_space<hbm>>
    tpu.wait_dma2 semaphore(%arg29 : memref<!tpu.dma_semaphore, #tpu.memory_space<semaphore_mem>>) src(%arg9 : memref<64x128xf32, #tpu.memory_space<vmem>>) dst(%dma_wait3A_813 : memref<64x128xf32, #tpu.memory_space<hbm>>)
    %add3A_814 = arith.constant 94 : i32
    %add3A_815 = arith.addi %multiple_of3A_5, %add3A_814 : i32
    %jit3A_816 = arith.constant 64 : i32
    %div3A_817 = arith.divsi %add3A_815, %jit3A_816 : i32
    %sign3A_818 = arith.constant 0 : i32
    %sign3A_819 = arith.cmpi sgt, %add3A_815, %sign3A_818 : i32
    %sign3A_820 = arith.extui %sign3A_819 : i1 to i32
    %sign3A_821 = arith.constant 0 : i32
    %sign3A_822 = arith.cmpi slt, %add3A_815, %sign3A_821 : i32
    %sign3A_823 = arith.extui %sign3A_822 : i1 to i32
    %sign3A_824 = arith.subi %sign3A_820, %sign3A_823 : i32
    %sign3A_825 = arith.constant 0 : i32
    %sign3A_826 = arith.cmpi sgt, %jit3A_816, %sign3A_825 : i32
    %sign3A_827 = arith.extui %sign3A_826 : i1 to i32
    %sign3A_828 = arith.constant 0 : i32
    %sign3A_829 = arith.cmpi slt, %jit3A_816, %sign3A_828 : i32
    %sign3A_830 = arith.extui %sign3A_829 : i1 to i32
    %sign3A_831 = arith.subi %sign3A_827, %sign3A_830 : i32
    %ne3A_832 = arith.cmpi ne, %sign3A_824, %sign3A_831 : i32
    %rem3A_833 = arith.remsi %add3A_815, %jit3A_816 : i32
    %ne3A_834 = arith.constant 0 : i32
    %ne3A_835 = arith.cmpi ne, %rem3A_833, %ne3A_834 : i32
    %and3A_836 = arith.andi %ne3A_832, %ne3A_835 : i1
    %sub3A_837 = arith.constant 1 : i32
    %sub3A_838 = arith.subi %div3A_817, %sub3A_837 : i32
    %select_n3A_839 = arith.select %and3A_836, %sub3A_838, %div3A_817 : i32
    %jit3A_840 = arith.constant 64 : i32
    %eq3A_841 = arith.constant 0 : i32
    %eq3A_842 = arith.cmpi eq, %jit3A_840, %eq3A_841 : i32
    %jit3A_843 = arith.constant 1 : i32
    %select_n3A_844 = arith.select %eq3A_842, %jit3A_843, %jit3A_840 : i32
    %rem3A_845 = arith.remsi %add3A_815, %select_n3A_844 : i32
    %ne3A_846 = arith.constant 0 : i32
    %ne3A_847 = arith.cmpi ne, %rem3A_845, %ne3A_846 : i32
    %lt3A_848 = arith.constant 0 : i32
    %lt3A_849 = arith.cmpi slt, %rem3A_845, %lt3A_848 : i32
    %lt3A_850 = arith.constant 0 : i32
    %lt3A_851 = arith.cmpi slt, %select_n3A_844, %lt3A_850 : i32
    %ne3A_852 = arith.xori %lt3A_849, %lt3A_851 : i1
    %and3A_853 = arith.andi %ne3A_852, %ne3A_847 : i1
    %add3A_854 = arith.addi %rem3A_845, %select_n3A_844 : i32
    %select_n3A_855 = arith.select %and3A_853, %add3A_854, %rem3A_845 : i32
    %mul3A_856 = arith.constant 64 : i32
    %mul3A_857 = arith.muli %select_n3A_855, %mul3A_856 : i32
    %multiple_of3A_858 = tpu.assume_multiple %mul3A_857, 64 : i32
    %dma_wait3A_859 = arith.constant 0 : i32
    %dma_wait3A_860 = tpu.memref_slice %arg4[%select_n3A_839, %multiple_of3A_858, %dma_wait3A_859] : memref<50x4096x128xf32, #tpu.memory_space<hbm>> -> memref<1x64x128xf32, #tpu.memory_space<hbm>>
    %dma_wait3A_861 = tpu.memref_squeeze %dma_wait3A_860 : memref<1x64x128xf32, #tpu.memory_space<hbm>> -> memref<64x128xf32, #tpu.memory_space<hbm>>
    %dma_wait3A_862 = arith.constant 0 : i32
    %dma_wait3A_863 = tpu.memref_slice %arg4[%select_n3A_839, %multiple_of3A_858, %dma_wait3A_862] : memref<50x4096x128xf32, #tpu.memory_space<hbm>> -> memref<1x64x128xf32, #tpu.memory_space<hbm>>
    %dma_wait3A_864 = tpu.memref_squeeze %dma_wait3A_863 : memref<1x64x128xf32, #tpu.memory_space<hbm>> -> memref<64x128xf32, #tpu.memory_space<hbm>>
    tpu.wait_dma2 semaphore(%arg30 : memref<!tpu.dma_semaphore, #tpu.memory_space<semaphore_mem>>) src(%arg10 : memref<64x128xf32, #tpu.memory_space<vmem>>) dst(%dma_wait3A_864 : memref<64x128xf32, #tpu.memory_space<hbm>>)
    %add3A_865 = arith.constant 95 : i32
    %add3A_866 = arith.addi %multiple_of3A_5, %add3A_865 : i32
    %jit3A_867 = arith.constant 64 : i32
    %div3A_868 = arith.divsi %add3A_866, %jit3A_867 : i32
    %sign3A_869 = arith.constant 0 : i32
    %sign3A_870 = arith.cmpi sgt, %add3A_866, %sign3A_869 : i32
    %sign3A_871 = arith.extui %sign3A_870 : i1 to i32
    %sign3A_872 = arith.constant 0 : i32
    %sign3A_873 = arith.cmpi slt, %add3A_866, %sign3A_872 : i32
    %sign3A_874 = arith.extui %sign3A_873 : i1 to i32
    %sign3A_875 = arith.subi %sign3A_871, %sign3A_874 : i32
    %sign3A_876 = arith.constant 0 : i32
    %sign3A_877 = arith.cmpi sgt, %jit3A_867, %sign3A_876 : i32
    %sign3A_878 = arith.extui %sign3A_877 : i1 to i32
    %sign3A_879 = arith.constant 0 : i32
    %sign3A_880 = arith.cmpi slt, %jit3A_867, %sign3A_879 : i32
    %sign3A_881 = arith.extui %sign3A_880 : i1 to i32
    %sign3A_882 = arith.subi %sign3A_878, %sign3A_881 : i32
    %ne3A_883 = arith.cmpi ne, %sign3A_875, %sign3A_882 : i32
    %rem3A_884 = arith.remsi %add3A_866, %jit3A_867 : i32
    %ne3A_885 = arith.constant 0 : i32
    %ne3A_886 = arith.cmpi ne, %rem3A_884, %ne3A_885 : i32
    %and3A_887 = arith.andi %ne3A_883, %ne3A_886 : i1
    %sub3A_888 = arith.constant 1 : i32
    %sub3A_889 = arith.subi %div3A_868, %sub3A_888 : i32
    %select_n3A_890 = arith.select %and3A_887, %sub3A_889, %div3A_868 : i32
    %jit3A_891 = arith.constant 64 : i32
    %eq3A_892 = arith.constant 0 : i32
    %eq3A_893 = arith.cmpi eq, %jit3A_891, %eq3A_892 : i32
    %jit3A_894 = arith.constant 1 : i32
    %select_n3A_895 = arith.select %eq3A_893, %jit3A_894, %jit3A_891 : i32
    %rem3A_896 = arith.remsi %add3A_866, %select_n3A_895 : i32
    %ne3A_897 = arith.constant 0 : i32
    %ne3A_898 = arith.cmpi ne, %rem3A_896, %ne3A_897 : i32
    %lt3A_899 = arith.constant 0 : i32
    %lt3A_900 = arith.cmpi slt, %rem3A_896, %lt3A_899 : i32
    %lt3A_901 = arith.constant 0 : i32
    %lt3A_902 = arith.cmpi slt, %select_n3A_895, %lt3A_901 : i32
    %ne3A_903 = arith.xori %lt3A_900, %lt3A_902 : i1
    %and3A_904 = arith.andi %ne3A_903, %ne3A_898 : i1
    %add3A_905 = arith.addi %rem3A_896, %select_n3A_895 : i32
    %select_n3A_906 = arith.select %and3A_904, %add3A_905, %rem3A_896 : i32
    %mul3A_907 = arith.constant 64 : i32
    %mul3A_908 = arith.muli %select_n3A_906, %mul3A_907 : i32
    %multiple_of3A_909 = tpu.assume_multiple %mul3A_908, 64 : i32
    %dma_wait3A_910 = arith.constant 0 : i32
    %dma_wait3A_911 = tpu.memref_slice %arg4[%select_n3A_890, %multiple_of3A_909, %dma_wait3A_910] : memref<50x4096x128xf32, #tpu.memory_space<hbm>> -> memref<1x64x128xf32, #tpu.memory_space<hbm>>
    %dma_wait3A_912 = tpu.memref_squeeze %dma_wait3A_911 : memref<1x64x128xf32, #tpu.memory_space<hbm>> -> memref<64x128xf32, #tpu.memory_space<hbm>>
    %dma_wait3A_913 = arith.constant 0 : i32
    %dma_wait3A_914 = tpu.memref_slice %arg4[%select_n3A_890, %multiple_of3A_909, %dma_wait3A_913] : memref<50x4096x128xf32, #tpu.memory_space<hbm>> -> memref<1x64x128xf32, #tpu.memory_space<hbm>>
    %dma_wait3A_915 = tpu.memref_squeeze %dma_wait3A_914 : memref<1x64x128xf32, #tpu.memory_space<hbm>> -> memref<64x128xf32, #tpu.memory_space<hbm>>
    tpu.wait_dma2 semaphore(%arg31 : memref<!tpu.dma_semaphore, #tpu.memory_space<semaphore_mem>>) src(%arg11 : memref<64x128xf32, #tpu.memory_space<vmem>>) dst(%dma_wait3A_915 : memref<64x128xf32, #tpu.memory_space<hbm>>)
    %add3A_916 = arith.constant 96 : i32
    %add3A_917 = arith.addi %multiple_of3A_5, %add3A_916 : i32
    %jit3A_918 = arith.constant 64 : i32
    %div3A_919 = arith.divsi %add3A_917, %jit3A_918 : i32
    %sign3A_920 = arith.constant 0 : i32
    %sign3A_921 = arith.cmpi sgt, %add3A_917, %sign3A_920 : i32
    %sign3A_922 = arith.extui %sign3A_921 : i1 to i32
    %sign3A_923 = arith.constant 0 : i32
    %sign3A_924 = arith.cmpi slt, %add3A_917, %sign3A_923 : i32
    %sign3A_925 = arith.extui %sign3A_924 : i1 to i32
    %sign3A_926 = arith.subi %sign3A_922, %sign3A_925 : i32
    %sign3A_927 = arith.constant 0 : i32
    %sign3A_928 = arith.cmpi sgt, %jit3A_918, %sign3A_927 : i32
    %sign3A_929 = arith.extui %sign3A_928 : i1 to i32
    %sign3A_930 = arith.constant 0 : i32
    %sign3A_931 = arith.cmpi slt, %jit3A_918, %sign3A_930 : i32
    %sign3A_932 = arith.extui %sign3A_931 : i1 to i32
    %sign3A_933 = arith.subi %sign3A_929, %sign3A_932 : i32
    %ne3A_934 = arith.cmpi ne, %sign3A_926, %sign3A_933 : i32
    %rem3A_935 = arith.remsi %add3A_917, %jit3A_918 : i32
    %ne3A_936 = arith.constant 0 : i32
    %ne3A_937 = arith.cmpi ne, %rem3A_935, %ne3A_936 : i32
    %and3A_938 = arith.andi %ne3A_934, %ne3A_937 : i1
    %sub3A_939 = arith.constant 1 : i32
    %sub3A_940 = arith.subi %div3A_919, %sub3A_939 : i32
    %select_n3A_941 = arith.select %and3A_938, %sub3A_940, %div3A_919 : i32
    %jit3A_942 = arith.constant 64 : i32
    %eq3A_943 = arith.constant 0 : i32
    %eq3A_944 = arith.cmpi eq, %jit3A_942, %eq3A_943 : i32
    %jit3A_945 = arith.constant 1 : i32
    %select_n3A_946 = arith.select %eq3A_944, %jit3A_945, %jit3A_942 : i32
    %rem3A_947 = arith.remsi %add3A_917, %select_n3A_946 : i32
    %ne3A_948 = arith.constant 0 : i32
    %ne3A_949 = arith.cmpi ne, %rem3A_947, %ne3A_948 : i32
    %lt3A_950 = arith.constant 0 : i32
    %lt3A_951 = arith.cmpi slt, %rem3A_947, %lt3A_950 : i32
    %lt3A_952 = arith.constant 0 : i32
    %lt3A_953 = arith.cmpi slt, %select_n3A_946, %lt3A_952 : i32
    %ne3A_954 = arith.xori %lt3A_951, %lt3A_953 : i1
    %and3A_955 = arith.andi %ne3A_954, %ne3A_949 : i1
    %add3A_956 = arith.addi %rem3A_947, %select_n3A_946 : i32
    %select_n3A_957 = arith.select %and3A_955, %add3A_956, %rem3A_947 : i32
    %mul3A_958 = arith.constant 64 : i32
    %mul3A_959 = arith.muli %select_n3A_957, %mul3A_958 : i32
    %multiple_of3A_960 = tpu.assume_multiple %mul3A_959, 64 : i32
    %dma_wait3A_961 = arith.constant 0 : i32
    %dma_wait3A_962 = tpu.memref_slice %arg4[%select_n3A_941, %multiple_of3A_960, %dma_wait3A_961] : memref<50x4096x128xf32, #tpu.memory_space<hbm>> -> memref<1x64x128xf32, #tpu.memory_space<hbm>>
    %dma_wait3A_963 = tpu.memref_squeeze %dma_wait3A_962 : memref<1x64x128xf32, #tpu.memory_space<hbm>> -> memref<64x128xf32, #tpu.memory_space<hbm>>
    %dma_wait3A_964 = arith.constant 0 : i32
    %dma_wait3A_965 = tpu.memref_slice %arg4[%select_n3A_941, %multiple_of3A_960, %dma_wait3A_964] : memref<50x4096x128xf32, #tpu.memory_space<hbm>> -> memref<1x64x128xf32, #tpu.memory_space<hbm>>
    %dma_wait3A_966 = tpu.memref_squeeze %dma_wait3A_965 : memref<1x64x128xf32, #tpu.memory_space<hbm>> -> memref<64x128xf32, #tpu.memory_space<hbm>>
    tpu.wait_dma2 semaphore(%arg32 : memref<!tpu.dma_semaphore, #tpu.memory_space<semaphore_mem>>) src(%arg12 : memref<64x128xf32, #tpu.memory_space<vmem>>) dst(%dma_wait3A_966 : memref<64x128xf32, #tpu.memory_space<hbm>>)
    %add3A_967 = arith.constant 97 : i32
    %add3A_968 = arith.addi %multiple_of3A_5, %add3A_967 : i32
    %jit3A_969 = arith.constant 64 : i32
    %div3A_970 = arith.divsi %add3A_968, %jit3A_969 : i32
    %sign3A_971 = arith.constant 0 : i32
    %sign3A_972 = arith.cmpi sgt, %add3A_968, %sign3A_971 : i32
    %sign3A_973 = arith.extui %sign3A_972 : i1 to i32
    %sign3A_974 = arith.constant 0 : i32
    %sign3A_975 = arith.cmpi slt, %add3A_968, %sign3A_974 : i32
    %sign3A_976 = arith.extui %sign3A_975 : i1 to i32
    %sign3A_977 = arith.subi %sign3A_973, %sign3A_976 : i32
    %sign3A_978 = arith.constant 0 : i32
    %sign3A_979 = arith.cmpi sgt, %jit3A_969, %sign3A_978 : i32
    %sign3A_980 = arith.extui %sign3A_979 : i1 to i32
    %sign3A_981 = arith.constant 0 : i32
    %sign3A_982 = arith.cmpi slt, %jit3A_969, %sign3A_981 : i32
    %sign3A_983 = arith.extui %sign3A_982 : i1 to i32
    %sign3A_984 = arith.subi %sign3A_980, %sign3A_983 : i32
    %ne3A_985 = arith.cmpi ne, %sign3A_977, %sign3A_984 : i32
    %rem3A_986 = arith.remsi %add3A_968, %jit3A_969 : i32
    %ne3A_987 = arith.constant 0 : i32
    %ne3A_988 = arith.cmpi ne, %rem3A_986, %ne3A_987 : i32
    %and3A_989 = arith.andi %ne3A_985, %ne3A_988 : i1
    %sub3A_990 = arith.constant 1 : i32
    %sub3A_991 = arith.subi %div3A_970, %sub3A_990 : i32
    %select_n3A_992 = arith.select %and3A_989, %sub3A_991, %div3A_970 : i32
    %jit3A_993 = arith.constant 64 : i32
    %eq3A_994 = arith.constant 0 : i32
    %eq3A_995 = arith.cmpi eq, %jit3A_993, %eq3A_994 : i32
    %jit3A_996 = arith.constant 1 : i32
    %select_n3A_997 = arith.select %eq3A_995, %jit3A_996, %jit3A_993 : i32
    %rem3A_998 = arith.remsi %add3A_968, %select_n3A_997 : i32
    %ne3A_999 = arith.constant 0 : i32
    %ne3A_1000 = arith.cmpi ne, %rem3A_998, %ne3A_999 : i32
    %lt3A_1001 = arith.constant 0 : i32
    %lt3A_1002 = arith.cmpi slt, %rem3A_998, %lt3A_1001 : i32
    %lt3A_1003 = arith.constant 0 : i32
    %lt3A_1004 = arith.cmpi slt, %select_n3A_997, %lt3A_1003 : i32
    %ne3A_1005 = arith.xori %lt3A_1002, %lt3A_1004 : i1
    %and3A_1006 = arith.andi %ne3A_1005, %ne3A_1000 : i1
    %add3A_1007 = arith.addi %rem3A_998, %select_n3A_997 : i32
    %select_n3A_1008 = arith.select %and3A_1006, %add3A_1007, %rem3A_998 : i32
    %mul3A_1009 = arith.constant 64 : i32
    %mul3A_1010 = arith.muli %select_n3A_1008, %mul3A_1009 : i32
    %multiple_of3A_1011 = tpu.assume_multiple %mul3A_1010, 64 : i32
    %dma_wait3A_1012 = arith.constant 0 : i32
    %dma_wait3A_1013 = tpu.memref_slice %arg4[%select_n3A_992, %multiple_of3A_1011, %dma_wait3A_1012] : memref<50x4096x128xf32, #tpu.memory_space<hbm>> -> memref<1x64x128xf32, #tpu.memory_space<hbm>>
    %dma_wait3A_1014 = tpu.memref_squeeze %dma_wait3A_1013 : memref<1x64x128xf32, #tpu.memory_space<hbm>> -> memref<64x128xf32, #tpu.memory_space<hbm>>
    %dma_wait3A_1015 = arith.constant 0 : i32
    %dma_wait3A_1016 = tpu.memref_slice %arg4[%select_n3A_992, %multiple_of3A_1011, %dma_wait3A_1015] : memref<50x4096x128xf32, #tpu.memory_space<hbm>> -> memref<1x64x128xf32, #tpu.memory_space<hbm>>
    %dma_wait3A_1017 = tpu.memref_squeeze %dma_wait3A_1016 : memref<1x64x128xf32, #tpu.memory_space<hbm>> -> memref<64x128xf32, #tpu.memory_space<hbm>>
    tpu.wait_dma2 semaphore(%arg33 : memref<!tpu.dma_semaphore, #tpu.memory_space<semaphore_mem>>) src(%arg13 : memref<64x128xf32, #tpu.memory_space<vmem>>) dst(%dma_wait3A_1017 : memref<64x128xf32, #tpu.memory_space<hbm>>)
    %add3A_1018 = arith.constant 98 : i32
    %add3A_1019 = arith.addi %multiple_of3A_5, %add3A_1018 : i32
    %jit3A_1020 = arith.constant 64 : i32
    %div3A_1021 = arith.divsi %add3A_1019, %jit3A_1020 : i32
    %sign3A_1022 = arith.constant 0 : i32
    %sign3A_1023 = arith.cmpi sgt, %add3A_1019, %sign3A_1022 : i32
    %sign3A_1024 = arith.extui %sign3A_1023 : i1 to i32
    %sign3A_1025 = arith.constant 0 : i32
    %sign3A_1026 = arith.cmpi slt, %add3A_1019, %sign3A_1025 : i32
    %sign3A_1027 = arith.extui %sign3A_1026 : i1 to i32
    %sign3A_1028 = arith.subi %sign3A_1024, %sign3A_1027 : i32
    %sign3A_1029 = arith.constant 0 : i32
    %sign3A_1030 = arith.cmpi sgt, %jit3A_1020, %sign3A_1029 : i32
    %sign3A_1031 = arith.extui %sign3A_1030 : i1 to i32
    %sign3A_1032 = arith.constant 0 : i32
    %sign3A_1033 = arith.cmpi slt, %jit3A_1020, %sign3A_1032 : i32
    %sign3A_1034 = arith.extui %sign3A_1033 : i1 to i32
    %sign3A_1035 = arith.subi %sign3A_1031, %sign3A_1034 : i32
    %ne3A_1036 = arith.cmpi ne, %sign3A_1028, %sign3A_1035 : i32
    %rem3A_1037 = arith.remsi %add3A_1019, %jit3A_1020 : i32
    %ne3A_1038 = arith.constant 0 : i32
    %ne3A_1039 = arith.cmpi ne, %rem3A_1037, %ne3A_1038 : i32
    %and3A_1040 = arith.andi %ne3A_1036, %ne3A_1039 : i1
    %sub3A_1041 = arith.constant 1 : i32
    %sub3A_1042 = arith.subi %div3A_1021, %sub3A_1041 : i32
    %select_n3A_1043 = arith.select %and3A_1040, %sub3A_1042, %div3A_1021 : i32
    %jit3A_1044 = arith.constant 64 : i32
    %eq3A_1045 = arith.constant 0 : i32
    %eq3A_1046 = arith.cmpi eq, %jit3A_1044, %eq3A_1045 : i32
    %jit3A_1047 = arith.constant 1 : i32
    %select_n3A_1048 = arith.select %eq3A_1046, %jit3A_1047, %jit3A_1044 : i32
    %rem3A_1049 = arith.remsi %add3A_1019, %select_n3A_1048 : i32
    %ne3A_1050 = arith.constant 0 : i32
    %ne3A_1051 = arith.cmpi ne, %rem3A_1049, %ne3A_1050 : i32
    %lt3A_1052 = arith.constant 0 : i32
    %lt3A_1053 = arith.cmpi slt, %rem3A_1049, %lt3A_1052 : i32
    %lt3A_1054 = arith.constant 0 : i32
    %lt3A_1055 = arith.cmpi slt, %select_n3A_1048, %lt3A_1054 : i32
    %ne3A_1056 = arith.xori %lt3A_1053, %lt3A_1055 : i1
    %and3A_1057 = arith.andi %ne3A_1056, %ne3A_1051 : i1
    %add3A_1058 = arith.addi %rem3A_1049, %select_n3A_1048 : i32
    %select_n3A_1059 = arith.select %and3A_1057, %add3A_1058, %rem3A_1049 : i32
    %mul3A_1060 = arith.constant 64 : i32
    %mul3A_1061 = arith.muli %select_n3A_1059, %mul3A_1060 : i32
    %multiple_of3A_1062 = tpu.assume_multiple %mul3A_1061, 64 : i32
    %dma_wait3A_1063 = arith.constant 0 : i32
    %dma_wait3A_1064 = tpu.memref_slice %arg4[%select_n3A_1043, %multiple_of3A_1062, %dma_wait3A_1063] : memref<50x4096x128xf32, #tpu.memory_space<hbm>> -> memref<1x64x128xf32, #tpu.memory_space<hbm>>
    %dma_wait3A_1065 = tpu.memref_squeeze %dma_wait3A_1064 : memref<1x64x128xf32, #tpu.memory_space<hbm>> -> memref<64x128xf32, #tpu.memory_space<hbm>>
    %dma_wait3A_1066 = arith.constant 0 : i32
    %dma_wait3A_1067 = tpu.memref_slice %arg4[%select_n3A_1043, %multiple_of3A_1062, %dma_wait3A_1066] : memref<50x4096x128xf32, #tpu.memory_space<hbm>> -> memref<1x64x128xf32, #tpu.memory_space<hbm>>
    %dma_wait3A_1068 = tpu.memref_squeeze %dma_wait3A_1067 : memref<1x64x128xf32, #tpu.memory_space<hbm>> -> memref<64x128xf32, #tpu.memory_space<hbm>>
    tpu.wait_dma2 semaphore(%arg34 : memref<!tpu.dma_semaphore, #tpu.memory_space<semaphore_mem>>) src(%arg14 : memref<64x128xf32, #tpu.memory_space<vmem>>) dst(%dma_wait3A_1068 : memref<64x128xf32, #tpu.memory_space<hbm>>)
    %add3A_1069 = arith.constant 99 : i32
    %add3A_1070 = arith.addi %multiple_of3A_5, %add3A_1069 : i32
    %jit3A_1071 = arith.constant 64 : i32
    %div3A_1072 = arith.divsi %add3A_1070, %jit3A_1071 : i32
    %sign3A_1073 = arith.constant 0 : i32
    %sign3A_1074 = arith.cmpi sgt, %add3A_1070, %sign3A_1073 : i32
    %sign3A_1075 = arith.extui %sign3A_1074 : i1 to i32
    %sign3A_1076 = arith.constant 0 : i32
    %sign3A_1077 = arith.cmpi slt, %add3A_1070, %sign3A_1076 : i32
    %sign3A_1078 = arith.extui %sign3A_1077 : i1 to i32
    %sign3A_1079 = arith.subi %sign3A_1075, %sign3A_1078 : i32
    %sign3A_1080 = arith.constant 0 : i32
    %sign3A_1081 = arith.cmpi sgt, %jit3A_1071, %sign3A_1080 : i32
    %sign3A_1082 = arith.extui %sign3A_1081 : i1 to i32
    %sign3A_1083 = arith.constant 0 : i32
    %sign3A_1084 = arith.cmpi slt, %jit3A_1071, %sign3A_1083 : i32
    %sign3A_1085 = arith.extui %sign3A_1084 : i1 to i32
    %sign3A_1086 = arith.subi %sign3A_1082, %sign3A_1085 : i32
    %ne3A_1087 = arith.cmpi ne, %sign3A_1079, %sign3A_1086 : i32
    %rem3A_1088 = arith.remsi %add3A_1070, %jit3A_1071 : i32
    %ne3A_1089 = arith.constant 0 : i32
    %ne3A_1090 = arith.cmpi ne, %rem3A_1088, %ne3A_1089 : i32
    %and3A_1091 = arith.andi %ne3A_1087, %ne3A_1090 : i1
    %sub3A_1092 = arith.constant 1 : i32
    %sub3A_1093 = arith.subi %div3A_1072, %sub3A_1092 : i32
    %select_n3A_1094 = arith.select %and3A_1091, %sub3A_1093, %div3A_1072 : i32
    %jit3A_1095 = arith.constant 64 : i32
    %eq3A_1096 = arith.constant 0 : i32
    %eq3A_1097 = arith.cmpi eq, %jit3A_1095, %eq3A_1096 : i32
    %jit3A_1098 = arith.constant 1 : i32
    %select_n3A_1099 = arith.select %eq3A_1097, %jit3A_1098, %jit3A_1095 : i32
    %rem3A_1100 = arith.remsi %add3A_1070, %select_n3A_1099 : i32
    %ne3A_1101 = arith.constant 0 : i32
    %ne3A_1102 = arith.cmpi ne, %rem3A_1100, %ne3A_1101 : i32
    %lt3A_1103 = arith.constant 0 : i32
    %lt3A_1104 = arith.cmpi slt, %rem3A_1100, %lt3A_1103 : i32
    %lt3A_1105 = arith.constant 0 : i32
    %lt3A_1106 = arith.cmpi slt, %select_n3A_1099, %lt3A_1105 : i32
    %ne3A_1107 = arith.xori %lt3A_1104, %lt3A_1106 : i1
    %and3A_1108 = arith.andi %ne3A_1107, %ne3A_1102 : i1
    %add3A_1109 = arith.addi %rem3A_1100, %select_n3A_1099 : i32
    %select_n3A_1110 = arith.select %and3A_1108, %add3A_1109, %rem3A_1100 : i32
    %mul3A_1111 = arith.constant 64 : i32
    %mul3A_1112 = arith.muli %select_n3A_1110, %mul3A_1111 : i32
    %multiple_of3A_1113 = tpu.assume_multiple %mul3A_1112, 64 : i32
    %dma_wait3A_1114 = arith.constant 0 : i32
    %dma_wait3A_1115 = tpu.memref_slice %arg4[%select_n3A_1094, %multiple_of3A_1113, %dma_wait3A_1114] : memref<50x4096x128xf32, #tpu.memory_space<hbm>> -> memref<1x64x128xf32, #tpu.memory_space<hbm>>
    %dma_wait3A_1116 = tpu.memref_squeeze %dma_wait3A_1115 : memref<1x64x128xf32, #tpu.memory_space<hbm>> -> memref<64x128xf32, #tpu.memory_space<hbm>>
    %dma_wait3A_1117 = arith.constant 0 : i32
    %dma_wait3A_1118 = tpu.memref_slice %arg4[%select_n3A_1094, %multiple_of3A_1113, %dma_wait3A_1117] : memref<50x4096x128xf32, #tpu.memory_space<hbm>> -> memref<1x64x128xf32, #tpu.memory_space<hbm>>
    %dma_wait3A_1119 = tpu.memref_squeeze %dma_wait3A_1118 : memref<1x64x128xf32, #tpu.memory_space<hbm>> -> memref<64x128xf32, #tpu.memory_space<hbm>>
    tpu.wait_dma2 semaphore(%arg35 : memref<!tpu.dma_semaphore, #tpu.memory_space<semaphore_mem>>) src(%arg15 : memref<64x128xf32, #tpu.memory_space<vmem>>) dst(%dma_wait3A_1119 : memref<64x128xf32, #tpu.memory_space<hbm>>)
    return
  }
}

</mosaic_0001>

<sc_bundles>
// kernel: kernel.3.cloned.1.call-start
scs
__scs_entry_jumppad:
0x0: {  	(pc) =	sbr.rel $0x88, $3  }
0x1: {  	(tag) =	ssettag $0x0;
	lr =	simm.s32 $0x1  }
0x2: {  	[smem:$0x3F9F] =	sst lr;
	_ =	strace $0xD0000000  }
0x3: {  	_ = 	snop  }
0x4: {  	_ = 	snop  }
0x5: {  	_ = 	snop  }
0x6: {  	_ = 	snop  }
0x7: {  	_ = 	snop  }
__scs_overlays_trampoline_lowered:
0x8: {  	[smem:$0x3FAE] =	sst s0  }
0x9: {  	[smem:$0x3FAF] =	sst s1  }
0xa: {  	[smem:$0x3FB0] =	sst s2  }
0xb: {  	[smem:$0x3FB1] =	sst s3  }
0xc: {  	[smem:$0x3FB2] =	sst s4  }
0xd: {  	[smem:$0x3FB3] =	sst s5  }
0xe: {  	[smem:$0x3FB4] =	sst s6  }
0xf: {  	[smem:$0x3FB5] =	sst s7  }
0x10: {  	[smem:$0x3FB6] =	sst s8  }
0x11: {  	[smem:$0x3FB7] =	sst s9;
	s0 =	simm.s32 @!p0 $0x0  }
0x12: {  	s1 =	sld [smem:$0x3F9D];
	s0 =	simm.s32 @p0 $0x1  }
0x13: {  	[smem:$0x3FB8] =	sst s0;
	s0 =	simm.s32 @!p1 $0x0  }
0x14: {  	s2 =	sld [smem:$0x3F9C];
	s0 =	simm.s32 @p1 $0x1  }
0x15: {  	[smem:$0x3FB9] =	sst s0;
	s0 =	simm.s32 @!p2 $0x0  }
0x16: {  	s3 =	sld [smem:$0x3FDB];
	s0 =	simm.s32 @p2 $0x1  }
0x17: {  	s4 =	simm.s32 $0x1BF5;
	[smem:$0x3FBB] =	sst s0  }
0x18: {  	s0 =	sld [smem:$0x3F9E];
	_ =	swait.ge [sflag:s4], $0x0  }
0x19: {  	s7 =	sld [smem:$0x3F9F]  }
0x1a: {  	s8 =	sadd.s32 $0xFFFFE003, lr  }
0x1b: {  	s9 =	sadd.s32 $0xFFFFFEF7, lr;
	s5 =	simm.s32 $0xFFFFFFFF;
	p2 =	slt.u32 s8, $0xFFFFF086  }
0x1c: {  	p1 =	slt.u32 s9, $0xF7A;
	s5 =	simm.s32 @!p2 $0x0  }
0x1d: {  	s5 =	simm.s32 @p1 $0x1;
	p0 =	seq.s32 s7, s2  }
0x1e: {  	s7 =	smul.u32 @!p0 $0xF7A, s2;
	p2 =	seq.s32 @!p0 s5, $0x0  }
0x1f: {  	s9 =	smul.u32 $0xF7A, s1;
	s8 =	simm.s32 @!p0 $0x1BF5;
	p2 =	por !p2, p0  }
0x20: {  	[sflag:s8] =	ssyncset.s32 @!p0 $0xFFFFF086;
	s6 =	sadd.s32 @!p0 s3, s7;
	s7 =	simm.s32 @!p0 $0x108  }
0x21: {  	s3 =	sadd.s32 s3, s9;
	s6 =	sadd.s32 @!p0 $0x88, s6;
	s7 =	simm.s32 @p2 $0x1082  }
0x22: {  	[simem:s7], [sflag:s8] =	dma.local @!p0 [hbm:s6], $0xF7A  }
0x23: {  	s9 =	sor.u32 $0xD0000000, s2;
	s6 =	simm.s32 $0x108;
	_ =	swait.ge @!p0 [sflag:s8], $0x0  }
0x24: {  	s3 =	sadd.s32 $0x88, s3;
	s6 =	simm.s32 @!p1 $0x1082;
	[sflag:s4] =	ssyncset.s32 $0xFFFFF086  }
0x25: {  	[simem:s6], [sflag:s4] =	dma.local [hbm:s3], $0xF7A  }
0x26: {  	[smem:$0x3F9F] =	sst s1;
	(tag) =	ssettag s2;
	_ =	strace s9  }
0x27: {  	s1 =	sld [smem:$0x3FAF]  }
0x28: {  	s2 =	sld [smem:$0x3FB0]  }
0x29: {  	s4 =	sld [smem:$0x3FB2]  }
0x2a: {  	p0 =	seq.s32 s5, $0x0;
	s5 =	sld [smem:$0x3FB3]  }
0x2b: {  	s6 =	sld [smem:$0x3FB4]  }
0x2c: {  	s7 =	sld [smem:$0x3FB5]  }
0x2d: {  	s3 =	simm.s32 $0x108;
	s8 =	sld [smem:$0x3FB6]  }
0x2e: {  	s3 =	simm.s32 @!p0 $0x1082;
	s9 =	sld [smem:$0x3FB7]  }
0x2f: {  	lr =	sadd.s32 s0, s3;
	s0 =	sld [smem:$0x3FAE]  }
0x30: {  	s3 =	sld [smem:$0x3FB1]  }
0x31: {  	[smem:$0x3FBA] =	sst s10  }
0x32: {  	s10 =	sld [smem:$0x3FB8];
	_ =	sdelay $0x3  }
0x33: {  	p0 =	seq.s32 s10, $0x1;
	s10 =	sld [smem:$0x3FBA];
	_ =	sdelay $0x3  }
0x34: {  	[smem:$0x3FBA] =	sst s10  }
0x35: {  	s10 =	sld [smem:$0x3FB9];
	_ =	sdelay $0x3  }
0x36: {  	p1 =	seq.s32 s10, $0x1;
	s10 =	sld [smem:$0x3FBA];
	_ =	sdelay $0x3  }
0x37: {  	[smem:$0x3FBA] =	sst s10  }
0x38: {  	s10 =	sld [smem:$0x3FBB]  }
0x39: {  	_ = 	snop;
	(pc) =	sbr.ind lr, $3  }
0x3a: {  	_ = 	snop  }
0x3b: {  	_ = 	snop  }
0x3c: {  	p2 =	seq.s32 s10, $0x1;
	s10 =	sld [smem:$0x3FBA]  }
0x3d: {  	_ =	shalt  }
0x3e: {  	_ =	shalt  }
0x3f: {  	_ =	shalt  }
0x40: {  	_ =	shalt  }
0x41: {  	_ =	shalt  }
0x42: {  	_ =	shalt  }
0x43: {  	_ =	shalt  }
0x44: {  	_ =	shalt  }
0x45: {  	_ =	shalt  }
0x46: {  	_ =	shalt  }
0x47: {  	_ =	shalt  }
0x48: {  	_ =	shalt  }
0x49: {  	_ =	shalt  }
0x4a: {  	_ =	shalt  }
0x4b: {  	_ =	shalt  }
0x4c: {  	_ =	shalt  }
0x4d: {  	_ =	shalt  }
0x4e: {  	_ =	shalt  }
0x4f: {  	_ =	shalt  }
0x50: {  	_ =	shalt  }
0x51: {  	_ =	shalt  }
0x52: {  	_ =	shalt  }
0x53: {  	_ =	shalt  }
0x54: {  	_ =	shalt  }
0x55: {  	_ =	shalt  }
0x56: {  	_ =	shalt  }
0x57: {  	_ =	shalt  }
0x58: {  	_ =	shalt  }
0x59: {  	_ =	shalt  }
0x5a: {  	_ =	shalt  }
0x5b: {  	_ =	shalt  }
0x5c: {  	_ =	shalt  }
0x5d: {  	_ =	shalt  }
0x5e: {  	_ =	shalt  }
0x5f: {  	_ =	shalt  }
0x60: {  	_ =	shalt  }
0x61: {  	_ =	shalt  }
0x62: {  	_ =	shalt  }
0x63: {  	_ =	shalt  }
0x64: {  	_ =	shalt  }
0x65: {  	_ =	shalt  }
0x66: {  	_ =	shalt  }
0x67: {  	_ =	shalt  }
0x68: {  	_ =	shalt  }
0x69: {  	_ =	shalt  }
0x6a: {  	_ =	shalt  }
0x6b: {  	_ =	shalt  }
0x6c: {  	_ =	shalt  }
0x6d: {  	_ =	shalt  }
0x6e: {  	_ =	shalt  }
0x6f: {  	_ =	shalt  }
0x70: {  	_ =	shalt  }
0x71: {  	_ =	shalt  }
0x72: {  	_ =	shalt  }
0x73: {  	_ =	shalt  }
0x74: {  	_ =	shalt  }
0x75: {  	_ =	shalt  }
0x76: {  	_ =	shalt  }
0x77: {  	_ =	shalt  }
0x78: {  	_ =	shalt  }
0x79: {  	_ =	shalt  }
0x7a: {  	_ =	shalt  }
0x7b: {  	_ =	shalt  }
0x7c: {  	_ =	shalt  }
0x7d: {  	_ =	shalt  }
0x7e: {  	_ =	shalt  }
0x7f: {  	_ =	shalt  }
0x80: {  	_ =	shalt  }
0x81: {  	_ =	shalt  }
0x82: {  	_ =	shalt  }
0x83: {  	_ =	shalt  }
0x84: {  	_ =	shalt  }
0x85: {  	_ =	shalt  }
0x86: {  	_ =	shalt  }
0x87: {  	_ =	shalt  }
.Lfunc_end0:
.L_simem_size_0:
called_computation_lowered:
.L_overlay_start_0:
0x88: {  	s2 =	sld [smem:$0x3FD9]  }
0x89: {  	s3 =	sld [smem:$0x3FFE];
	_ =	sdelay $0x1  }
0x8a: {  	s1 =	srdreg.scid  }
0x8b: {  	s0 =	sand.u32 $0x1, s1  }
0x8c: {  	s17 =	sshll.u32 s0, $0xA;
	s2 =	sadd.s32 s3, s2  }
0x8d: {  	s2 =	sadd.s32 s2, s17  }
0x8e: {  	[smem:$0x3FC6] =	sst s2  }
0x8f: {  	_ = 	snop  }
0x90: {  	s2 =	sld [smem:$0x3FC8]  }
0x91: {  	s18 =	sld [smem:$0x3FD0];
	(tm) =	ssettm $0x1  }
0x92: {  	s4 =	sld [smem:$0x3FFB];
	_ =	sdelay $0x3  }
0x93: {  	_ =	strace s4  }
0x94: {  	s4 =	sld [smem:$0x3FFC];
	_ =	sdelay $0x3  }
0x95: {  	_ =	strace s4  }
0x96: {  	s4 =	sld [smem:$0x3FFD];
	_ =	sdelay $0x3  }
0x97: {  	_ =	strace s4  }
0x98: {  	_ =	strace $0x8FFFFFFF  }
0x99: {  	s19 =	sld [smem:$0x3FDB];
	_ =	sdelay $0x1  }
0x9a: {  	s5 =	simm.s32 $_scs_section_size  }
0x9b: {  	s6 =	simm.s32 $_size__tile_overlayer_lowered;
	s7 =	simm.s32 $_tile_overlayer_lowered  }
0x9c: {  	s22 =	simm.s32 $0x1BFF;
	s21 =	sshll.u32 s7, $0x1;
	s4 =	sadd.s32 s5, s19  }
0x9d: {  	s8 =	simm.s32 $0x0;
	s20 =	sshll.u32 s6, $0x1;
	s6 =	sadd.s32 s21, s4  }
0x9e: {  	[timem:s8], [sflag:s22] =	dma.local [hbm:s6], s20  }
0x9f: {  	_ =	swait.ge [sflag:s22], s20  }
0xa0: {  	s5 =	ssub.s32 $0x0, s20;
	[sflag:s22] =	ssyncset.done $0x0  }
0xa1: {  	[sflag:s22] =	ssyncadd.s32 s5;
	_ =	sdelay $0x1  }
0xa2: {  	s23 =	simm.s32 $0x1B8B  }
0xa3: {  	_ =	swait.ge [sflag:s23], $0x1  }
0xa4: {  	[sflag:s23] =	ssyncset.done $0x0  }
0xa5: {  	s25 =	simm.s32 $0x1B8E;
	s24 =	sld [smem:$0x3FFE];
	[sflag:s23] =	ssyncadd.s32 $0xFFFFFFFF  }
0xa6: {  	s26 =	simm.s32 $execute0_lowered;
	[smem:$0x3FD2] =	sst s25  }
0xa7: {  	s6 =	sshll.u32 s26, $0x1;
	_ =	strace $0x80000046;
	[dreg:$0x1] =	wrdreg $0xFFFFFFFF  }
0xa8: {  	s28 =	simm.s32 $_size_execute0_lowered;
	s4 =	sadd.s32 s4, s6;
	[dreg:$0x0] =	wrdreg $0x0  }
0xa9: {  	s6 =	sshll.u32 s28, $0x1;
	[dreg:$0x2] =	wrdreg s4  }
0xaa: {  	[dreg:$0x3] =	wrdreg s6  }
0xab: {  	[dreg:$0x4] =	wrdreg $0xC0  }
0xac: {  	_ =	task [dreg:s8], $0x5FFFF  }
0xad: {  	[dreg:$0x1] =	wrdreg $0xFFFFFFFF  }
0xae: {  	[dreg:$0x0] =	wrdreg $0x60  }
0xaf: {  	[dreg:$0x2] =	wrdreg s24  }
0xb0: {  	[dreg:$0x3] =	wrdreg s2  }
0xb1: {  	[dreg:$0x4] =	wrdreg s18  }
0xb2: {  	[dreg:$0x5] =	wrdreg $0x9  }
0xb3: {  	_ =	task.clear_ibuf [dreg:s8], $0x6FFFF;
	_ =	strace $0x90000046  }
0xb4: {  	s29 =	simm.s32 $0x9;
	_ =	strace $0x80000048  }
0xb5: {  	_ =	swait.ge [sflag:s29], $0x1  }
0xb6: {  	[sflag:s29] =	ssyncadd.s32 $0xFFFFFFFF  }
0xb7: {  	_ =	strace $0x90000048  }
0xb8: {  	_ =	sfence  }
0xb9: {  	s30 =	sld [smem:$0x0];
	_ =	sdelay $0x2  }
0xba: {  	s31 =	sshll.u32 s1, $0xD;
	s1 =	sshrl.u32 s1, $0x2  }
0xbb: {  	s3 =	sand.u32 $0x4000, s31;
	s1 =	sadd.s32 s1, s30  }
0xbc: {  	s0 =	sor.u32 s3, s0;
	s1 =	sshll.u32 s1, $0x11  }
0xbd: {  	s0 =	sor.u32 s1, s0  }
0xbe: {  	s0 =	sadd.s32 $0x8F2B, s0  }
0xbf: {  	[sflag:s0] =	ssyncadd.remote.s32 $0x1  }
0xc0: {  	_ =	sfence.sel $0xFFFF  }
0xc1: {  	[dreg:$0x0] =	wrdreg $0xFFFFFFFF;
	(pc) =	sbr.abs _section_cstart, $3  }
0xc2: {  	[dreg:$0x1] =	wrdreg $0xFFFFFFFF  }
0xc3: {  	_ =	task.clear_ibuf [dreg:s8], $0x2FFFF;
	_ =	strace $0x9FFFFFFF  }
0xc4: {  	(tm) =	ssettm $0x7FFFFFFF  }
0xc5: {  	_ =	shalt  }
tec
execute0_lowered:
.L_overlay_start_1:
0x0: {  	(tag) =	ssettag $0x1  }
0x1: {  	s0 =	rddreg [dreg:$0x0]  }
0x2: {  	s1 =	srdreg.scid;
	s8 =	stileid.u32  }
0x3: {  	s2 =	rddreg [dreg:$0x1];
	s7 =	smul.u32 $0xC8, s8  }
0x4: {  	s9 =	rddreg [dreg:$0x2];
	s1 =	sand.u32 $0x1, s1;
	s25 =	smul.u32 $0x32000, s8  }
0x5: {  	s4 =	simm.s32 $0x0;
	s3 =	sshll.u32 s8, $0x1;
	s11 =	smul.u32 $0x64, s1  }
0x6: {  	s3 =	sor.u32 s1, s3;
	s10 =	ssub.s32 $0x2, s1;
	s1 =	smul.u32 $0x19000, s1  }
0x7: {  	[smem:$0x7FF] =	sst s4;
	s5 =	smul.u32 $0x320, s3  }
0x8: {  	_ =	strace $0x80000047;
	s16 =	sadd.s32 s11, s7;
	s31 =	sadd.s32 s1, s25  }
0x9: {  	s0 =	sadd.s32 s5, s0;
	s28 =	sshll.u32 s16, $0xA;
	[dreg:$0x9] =	wrdreg s31  }
0xa: {  	s0 =	sadd.s32 $0x400, s0;
	[dreg:$0xa] =	wrdreg s28  }
0xb: {  	s21 =	sadd.s32 $0x2400, s28;
	[dreg:$0xb] =	wrdreg s0  }
0xc: {  	s3 =	smul.u32 $0xC8000, s3;
	s23 =	sadd.s32 $0x2000, s28;
	[dreg:$0x4] =	wrdreg s21  }
0xd: {  	s6 =	sshrl.u32 s10, $0x1;
	s24 =	sadd.s32 $0x1000, s28;
	[dreg:$0x5] =	wrdreg s23  }
0xe: {  	s5 =	ssub.s32 s10, s6;
	s26 =	sadd.s32 $0x1800, s28;
	[dreg:$0x6] =	wrdreg s24  }
0xf: {  	s3 =	sshrl.u32 s3, $0x3;
	s30 =	smax.u32 s5, $0x1;
	[dreg:$0x7] =	wrdreg s26  }
0x10: {  	s3 =	sadd.s32 s9, s3;
	s29 =	sor.u32 $0x800, s28;
	[dreg:$0x16] =	wrdreg s30  }
0x11: {  	s12 =	sadd.s32 $0x16800, s3;
	[dreg:$0x8] =	wrdreg s29  }
0x12: {  	s13 =	sadd.s32 $0x16C00, s3;
	[dreg:$0xc] =	wrdreg s12  }
0x13: {  	s14 =	sadd.s32 $0x17000, s3;
	[dreg:$0xd] =	wrdreg s13  }
0x14: {  	s15 =	sadd.s32 $0x17400, s3;
	[dreg:$0xe] =	wrdreg s14  }
0x15: {  	s17 =	sadd.s32 $0x17800, s3;
	[dreg:$0xf] =	wrdreg s15  }
0x16: {  	s8 =	simm.s32 $0x13900;
	s18 =	sadd.s32 $0x17C00, s3;
	[dreg:$0x10] =	wrdreg s17  }
0x17: {  	s11 =	simm.s32 $0xF;
	s19 =	sadd.s32 $0x18000, s3;
	[dreg:$0x11] =	wrdreg s18  }
0x18: {  	s10 =	simm.s32 $0x5;
	s20 =	sadd.s32 $0x18400, s3;
	[dreg:$0x12] =	wrdreg s19  }
0x19: {  	s16 =	simm.s32 $0x11;
	s22 =	sadd.s32 $0x18800, s3;
	[dreg:$0x13] =	wrdreg s20  }
0x1a: {  	s9 =	simm.s32 $0xE;
	s3 =	sadd.s32 $0x18C00, s3;
	[dreg:$0x14] =	wrdreg s22  }
0x1b: {  	s21 =	simm.s32 $0x14;
	s0 =	simm.s32 $0x0;
	[dreg:$0x15] =	wrdreg s3  }
0x1c: {  	s19 =	simm.s32 $0x40;
	s13 =	simm.s32 $0x6;
	s14 =	simm.s32 $0x10  }
0x1d: {  	s15 =	simm.s32 $0x7;
	s17 =	simm.s32 $0x8;
	s18 =	simm.s32 $0x12  }
0x1e: {  	s3 =	simm.s32 $0x9;
	s12 =	simm.s32 $0x13;
	s20 =	simm.s32 $0xA  }
.LBB2_1:
0x1f: {  	[dreg:$0x17] =	wrdreg s0  }
0x20: {  	s1 =	rddreg [dreg:$0xb];
	s0 =	simm.s32 $0x15  }
0x21: {  	[tilespmem:s4], [sflag:$0x15] =	stream.linear.gather [hbm4b:s1+s4], $0x1900, $0x38;
	[tilespmem:$0x15900] =	vst v63  }
0x22: {  	_ =	swait.ge [sflag:s0], $0x1900  }
0x23: {  	[sflag:s0] =	ssyncset.done $0x0  }
0x24: {  	s25 =	simm.s32 $0x1900;
	[sflag:s0] =	ssyncadd.s32 $0xFFFFE700  }
0x25: {  	[tilespmem:s25], [sflag:$0x1] =	stream.indirect.gather [hbm4b:s2+s19], $0x80, s4, s19, $0xb8;
	[tilespmem:$0x15900] =	vst v63  }
0x26: {  	s26 =	simm.s32 $0x3900  }
0x27: {  	[tilespmem:s26], [sflag:$0x2] =	stream.indirect.gather [hbm4b:s2+s19], $0x80, s19, s19, $0xb8;
	[tilespmem:$0x15900] =	vst v63  }
0x28: {  	s5 =	simm.s32 $0x80;
	s30 =	simm.s32 $0x5900  }
0x29: {  	[tilespmem:s30], [sflag:$0x3] =	stream.indirect.gather [hbm4b:s2+s19], $0x80, s5, s19, $0xb8;
	[tilespmem:$0x15900] =	vst v63  }
0x2a: {  	s6 =	simm.s32 $0xC0;
	s22 =	simm.s32 $0x7900  }
0x2b: {  	[tilespmem:s22], [sflag:$0x4] =	stream.indirect.gather [hbm4b:s2+s19], $0x80, s6, s19, $0xb8;
	[tilespmem:$0x15900] =	vst v63  }
0x2c: {  	s7 =	simm.s32 $0x100;
	s24 =	simm.s32 $0x9900  }
0x2d: {  	[tilespmem:s24], [sflag:$0x5] =	stream.indirect.gather [hbm4b:s2+s19], $0x80, s7, s19, $0xb8;
	[tilespmem:$0x15900] =	vst v63  }
0x2e: {  	s23 =	simm.s32 $0x140;
	s29 =	simm.s32 $0xB900  }
0x2f: {  	[tilespmem:s29], [sflag:$0x6] =	stream.indirect.gather [hbm4b:s2+s19], $0x80, s23, s19, $0xb8;
	[tilespmem:$0x15900] =	vst v63  }
0x30: {  	s31 =	simm.s32 $0x180;
	s5 =	simm.s32 $0xD900  }
0x31: {  	[tilespmem:s5], [sflag:$0x7] =	stream.indirect.gather [hbm4b:s2+s19], $0x80, s31, s19, $0xb8;
	[tilespmem:$0x15900] =	vst v63  }
0x32: {  	s1 =	simm.s32 $0x1C0;
	s6 =	simm.s32 $0xF900  }
0x33: {  	[tilespmem:s6], [sflag:$0x8] =	stream.indirect.gather [hbm4b:s2+s19], $0x80, s1, s19, $0xb8;
	[tilespmem:$0x15900] =	vst v63  }
0x34: {  	s7 =	simm.s32 $0x200;
	s31 =	simm.s32 $0x11900  }
0x35: {  	[tilespmem:s31], [sflag:$0x9] =	stream.indirect.gather [hbm4b:s2+s19], $0x80, s7, s19, $0xb8;
	[tilespmem:$0x15900] =	vst v63  }
0x36: {  	s23 =	simm.s32 $0x240;
	s1 =	simm.s32 $0x1;
	s7 =	simm.s32 $0x13900  }
0x37: {  	[tilespmem:s7], [sflag:$0xA] =	stream.indirect.gather [hbm4b:s2+s19], $0x80, s23, s19, $0xb8;
	[tilespmem:$0x15900] =	vst v63  }
0x38: {  	_ =	swait.ge [sflag:s1], $0x2000  }
0x39: {  	[sflag:s1] =	ssyncset.done $0x0  }
0x3a: {  	s23 =	rddreg [dreg:$0x9];
	[sflag:s1] =	ssyncadd.s32 $0xFFFFE000  }
0x3b: {  	s1 =	rddreg [dreg:$0x2]  }
0x3c: {  	s23 =	sadd.s32 s1, s23  }
0x3d: {  	[hbm4b:s23+s4] =	stream.linear.scatter [tilespmem:s25], [sflag:$0xB], $0x2000, $0x38;
	[tilespmem:$0x15900] =	vst v63  }
0x3e: {  	s23 =	simm.s32 $0xB  }
0x3f: {  	_ =	swait.ge [sflag:s23], $0x2000  }
0x40: {  	[sflag:s23] =	ssyncset.done $0x0  }
0x41: {  	s0 =	simm.s32 $0x280;
	[sflag:s23] =	ssyncadd.s32 $0xFFFFE000  }
0x42: {  	[tilespmem:s25], [sflag:$0x1] =	stream.indirect.gather [hbm4b:s2+s19], $0x80, s0, s19, $0xb8;
	[tilespmem:$0x15900] =	vst v63  }
0x43: {  	s25 =	simm.s32 $0x2  }
0x44: {  	_ =	swait.ge [sflag:s25], $0x2000  }
0x45: {  	s23 =	sadd.s32 s1, s28;
	[sflag:s25] =	ssyncset.done $0x0  }
0x46: {  	s0 =	sadd.s32 $0x400, s23;
	[sflag:s25] =	ssyncadd.s32 $0xFFFFE000;
	s25 =	simm.s32 $0xC  }
0x47: {  	[hbm4b:s0+s4] =	stream.linear.scatter [tilespmem:s26], [sflag:$0xC], $0x2000, $0x38;
	[tilespmem:$0x15900] =	vst v63  }
0x48: {  	_ =	swait.ge [sflag:s25], $0x2000  }
0x49: {  	[sflag:s25] =	ssyncset.done $0x0  }
0x4a: {  	s0 =	simm.s32 $0x2C0;
	[sflag:s25] =	ssyncadd.s32 $0xFFFFE000;
	s25 =	simm.s32 $0x3  }
0x4b: {  	[tilespmem:s26], [sflag:$0x2] =	stream.indirect.gather [hbm4b:s2+s19], $0x80, s0, s19, $0xb8;
	[tilespmem:$0x15900] =	vst v63  }
0x4c: {  	_ =	swait.ge [sflag:s25], $0x2000  }
0x4d: {  	s26 =	rddreg [dreg:$0x8];
	[sflag:s25] =	ssyncset.done $0x0  }
0x4e: {  	[sflag:s25] =	ssyncadd.s32 $0xFFFFE000;
	s25 =	sadd.s32 s1, s26  }
0x4f: {  	[hbm4b:s25+s4] =	stream.linear.scatter [tilespmem:s30], [sflag:$0xD], $0x2000, $0x38;
	[tilespmem:$0x15900] =	vst v63  }
0x50: {  	s25 =	simm.s32 $0xD  }
0x51: {  	_ =	swait.ge [sflag:s25], $0x2000  }
0x52: {  	[sflag:s25] =	ssyncset.done $0x0  }
0x53: {  	s26 =	simm.s32 $0x300;
	[sflag:s25] =	ssyncadd.s32 $0xFFFFE000  }
0x54: {  	[tilespmem:s30], [sflag:$0x3] =	stream.indirect.gather [hbm4b:s2+s19], $0x80, s26, s19, $0xb8;
	[tilespmem:$0x15900] =	vst v63  }
0x55: {  	s30 =	simm.s32 $0x4  }
0x56: {  	_ =	swait.ge [sflag:s30], $0x2000  }
0x57: {  	[sflag:s30] =	ssyncset.done $0x0  }
0x58: {  	s23 =	sadd.s32 $0xC00, s23;
	[sflag:s30] =	ssyncadd.s32 $0xFFFFE000  }
0x59: {  	[hbm4b:s23+s4] =	stream.linear.scatter [tilespmem:s22], [sflag:$0xE], $0x2000, $0x38;
	[tilespmem:$0x15900] =	vst v63  }
0x5a: {  	_ =	swait.ge [sflag:s9], $0x2000  }
0x5b: {  	[sflag:s9] =	ssyncset.done $0x0  }
0x5c: {  	s0 =	simm.s32 $0x340;
	[sflag:s9] =	ssyncadd.s32 $0xFFFFE000  }
0x5d: {  	[tilespmem:s22], [sflag:$0x4] =	stream.indirect.gather [hbm4b:s2+s19], $0x80, s0, s19, $0xb8;
	[tilespmem:$0x15900] =	vst v63  }
0x5e: {  	_ =	swait.ge [sflag:s10], $0x2000  }
0x5f: {  	s25 =	rddreg [dreg:$0x6];
	[sflag:s10] =	ssyncset.done $0x0  }
0x60: {  	[sflag:s10] =	ssyncadd.s32 $0xFFFFE000;
	s23 =	sadd.s32 s1, s25  }
0x61: {  	[hbm4b:s23+s4] =	stream.linear.scatter [tilespmem:s24], [sflag:$0xF], $0x2000, $0x38;
	[tilespmem:$0x15900] =	vst v63  }
0x62: {  	_ =	swait.ge [sflag:s11], $0x2000  }
0x63: {  	[sflag:s11] =	ssyncset.done $0x0  }
0x64: {  	s26 =	simm.s32 $0x380;
	[sflag:s11] =	ssyncadd.s32 $0xFFFFE000  }
0x65: {  	[tilespmem:s24], [sflag:$0x5] =	stream.indirect.gather [hbm4b:s2+s19], $0x80, s26, s19, $0xb8;
	[tilespmem:$0x15900] =	vst v63  }
0x66: {  	_ =	swait.ge [sflag:s13], $0x2000  }
0x67: {  	[sflag:s13] =	ssyncset.done $0x0  }
0x68: {  	s30 =	sadd.s32 $0x400, s23;
	[sflag:s13] =	ssyncadd.s32 $0xFFFFE000  }
0x69: {  	[hbm4b:s30+s4] =	stream.linear.scatter [tilespmem:s29], [sflag:$0x10], $0x2000, $0x38;
	[tilespmem:$0x15900] =	vst v63  }
0x6a: {  	_ =	swait.ge [sflag:s14], $0x2000  }
0x6b: {  	[sflag:s14] =	ssyncset.done $0x0  }
0x6c: {  	s0 =	simm.s32 $0x3C0;
	[sflag:s14] =	ssyncadd.s32 $0xFFFFE000  }
0x6d: {  	[tilespmem:s29], [sflag:$0x6] =	stream.indirect.gather [hbm4b:s2+s19], $0x80, s0, s19, $0xb8;
	[tilespmem:$0x15900] =	vst v63  }
0x6e: {  	_ =	swait.ge [sflag:s15], $0x2000  }
0x6f: {  	s22 =	rddreg [dreg:$0x7];
	[sflag:s15] =	ssyncset.done $0x0  }
0x70: {  	[sflag:s15] =	ssyncadd.s32 $0xFFFFE000;
	s25 =	sadd.s32 s1, s22  }
0x71: {  	[hbm4b:s25+s4] =	stream.linear.scatter [tilespmem:s5], [sflag:$0x11], $0x2000, $0x38;
	[tilespmem:$0x15900] =	vst v63  }
0x72: {  	_ =	swait.ge [sflag:s16], $0x2000  }
0x73: {  	[sflag:s16] =	ssyncset.done $0x0  }
0x74: {  	s24 =	simm.s32 $0x400;
	[sflag:s16] =	ssyncadd.s32 $0xFFFFE000  }
0x75: {  	[tilespmem:s5], [sflag:$0x7] =	stream.indirect.gather [hbm4b:s2+s19], $0x80, s24, s19, $0xb8;
	[tilespmem:$0x15900] =	vst v63  }
0x76: {  	_ =	swait.ge [sflag:s17], $0x2000  }
0x77: {  	[sflag:s17] =	ssyncset.done $0x0  }
0x78: {  	s23 =	sadd.s32 $0xC00, s23;
	[sflag:s17] =	ssyncadd.s32 $0xFFFFE000  }
0x79: {  	[hbm4b:s23+s4] =	stream.linear.scatter [tilespmem:s6], [sflag:$0x12], $0x2000, $0x38;
	[tilespmem:$0x15900] =	vst v63  }
0x7a: {  	_ =	swait.ge [sflag:s18], $0x2000  }
0x7b: {  	[sflag:s18] =	ssyncset.done $0x0  }
0x7c: {  	s26 =	simm.s32 $0x440;
	[sflag:s18] =	ssyncadd.s32 $0xFFFFE000  }
0x7d: {  	[tilespmem:s6], [sflag:$0x8] =	stream.indirect.gather [hbm4b:s2+s19], $0x80, s26, s19, $0xb8;
	[tilespmem:$0x15900] =	vst v63  }
0x7e: {  	_ =	swait.ge [sflag:s3], $0x2000  }
0x7f: {  	s29 =	rddreg [dreg:$0x5];
	[sflag:s3] =	ssyncset.done $0x0  }
0x80: {  	[sflag:s3] =	ssyncadd.s32 $0xFFFFE000;
	s23 =	sadd.s32 s1, s29  }
0x81: {  	[hbm4b:s23+s4] =	stream.linear.scatter [tilespmem:s31], [sflag:$0x13], $0x2000, $0x38;
	[tilespmem:$0x15900] =	vst v63  }
0x82: {  	_ =	swait.ge [sflag:s12], $0x2000  }
0x83: {  	[sflag:s12] =	ssyncset.done $0x0  }
0x84: {  	s30 =	simm.s32 $0x480;
	[sflag:s12] =	ssyncadd.s32 $0xFFFFE000  }
0x85: {  	[tilespmem:s31], [sflag:$0x9] =	stream.indirect.gather [hbm4b:s2+s19], $0x80, s30, s19, $0xb8;
	[tilespmem:$0x15900] =	vst v63  }
0x86: {  	_ =	swait.ge [sflag:s20], $0x2000  }
0x87: {  	s31 =	rddreg [dreg:$0x4];
	[sflag:s20] =	ssyncset.done $0x0  }
0x88: {  	[sflag:s20] =	ssyncadd.s32 $0xFFFFE000;
	s23 =	sadd.s32 s1, s31  }
0x89: {  	[hbm4b:s23+s4] =	stream.linear.scatter [tilespmem:s7], [sflag:$0x14], $0x2000, $0x38;
	[tilespmem:$0x15900] =	vst v63  }
0x8a: {  	_ =	swait.ge [sflag:s21], $0x2000  }
0x8b: {  	s28 =	simm.s32 $0x4C0;
	[sflag:s21] =	ssyncset.done $0x0  }
0x8c: {  	s25 =	sadd.s32 $0x2800, s1;
	s23 =	simm.s32 $0xA00;
	[sflag:s21] =	ssyncadd.s32 $0xFFFFE000  }
.LBB2_2:
0x8d: {  	[tilespmem:s8], [sflag:$0xA] =	stream.indirect.gather [hbm4b:s2+s19], $0x80, s28, s19, $0xb8;
	[tilespmem:$0x15900] =	vst v63  }
0x8e: {  	s0 =	simm.s32 $0x1  }
0x8f: {  	_ =	swait.ge [sflag:s0], $0x2000  }
0x90: {  	s1 =	simm.s32 $0x1900;
	s30 =	rddreg [dreg:$0x9];
	[sflag:s0] =	ssyncset.done $0x0  }
0x91: {  	s26 =	simm.s32 $0xB;
	[sflag:s0] =	ssyncadd.s32 $0xFFFFE000;
	s30 =	sadd.s32 s25, s30  }
0x92: {  	[hbm4b:s30+s4] =	stream.linear.scatter [tilespmem:s1], [sflag:$0xB], $0x2000, $0x38;
	[tilespmem:$0x15900] =	vst v63  }
0x93: {  	s28 =	smov.u32 s23;
	_ =	swait.ge [sflag:s26], $0x2000  }
0x94: {  	s28 =	sshra.s32 s28, $0x2;
	[sflag:s26] =	ssyncset.done $0x0  }
0x95: {  	s5 =	simm.s32 $0x2;
	s30 =	sadd.s32 $0x280, s28;
	[sflag:s26] =	ssyncadd.s32 $0xFFFFE000  }
0x96: {  	[tilespmem:s1], [sflag:$0x1] =	stream.indirect.gather [hbm4b:s2+s19], $0x80, s30, s19, $0xb8;
	[tilespmem:$0x15900] =	vst v63  }
0x97: {  	_ =	swait.ge [sflag:s5], $0x2000  }
0x98: {  	s6 =	rddreg [dreg:$0xa]  }
0x99: {  	s7 =	simm.s32 $0x3900;
	[sflag:s5] =	ssyncset.done $0x0;
	s30 =	sadd.s32 s25, s6  }
0x9a: {  	s22 =	simm.s32 $0xC;
	[sflag:s5] =	ssyncadd.s32 $0xFFFFE000;
	s1 =	sadd.s32 $0x400, s30  }
0x9b: {  	[hbm4b:s1+s4] =	stream.linear.scatter [tilespmem:s7], [sflag:$0xC], $0x2000, $0x38;
	[tilespmem:$0x15900] =	vst v63  }
0x9c: {  	_ =	swait.ge [sflag:s22], $0x2000  }
0x9d: {  	[sflag:s22] =	ssyncset.done $0x0  }
0x9e: {  	s24 =	sadd.s32 $0x2C0, s28;
	s1 =	simm.s32 $0x3;
	[sflag:s22] =	ssyncadd.s32 $0xFFFFE000  }
0x9f: {  	[tilespmem:s7], [sflag:$0x2] =	stream.indirect.gather [hbm4b:s2+s19], $0x80, s24, s19, $0xb8;
	[tilespmem:$0x15900] =	vst v63  }
0xa0: {  	_ =	swait.ge [sflag:s1], $0x2000  }
0xa1: {  	s6 =	simm.s32 $0xD;
	s5 =	rddreg [dreg:$0x8];
	[sflag:s1] =	ssyncset.done $0x0  }
0xa2: {  	s22 =	simm.s32 $0x5900;
	[sflag:s1] =	ssyncadd.s32 $0xFFFFE000;
	s1 =	sadd.s32 s25, s5  }
0xa3: {  	[hbm4b:s1+s4] =	stream.linear.scatter [tilespmem:s22], [sflag:$0xD], $0x2000, $0x38;
	[tilespmem:$0x15900] =	vst v63  }
0xa4: {  	_ =	swait.ge [sflag:s6], $0x2000  }
0xa5: {  	[sflag:s6] =	ssyncset.done $0x0  }
0xa6: {  	s7 =	sadd.s32 $0x300, s28;
	[sflag:s6] =	ssyncadd.s32 $0xFFFFE000  }
0xa7: {  	[tilespmem:s22], [sflag:$0x3] =	stream.indirect.gather [hbm4b:s2+s19], $0x80, s7, s19, $0xb8;
	[tilespmem:$0x15900] =	vst v63  }
0xa8: {  	s22 =	simm.s32 $0x4  }
0xa9: {  	_ =	swait.ge [sflag:s22], $0x2000  }
0xaa: {  	[sflag:s22] =	ssyncset.done $0x0  }
0xab: {  	s24 =	sadd.s32 $0xC00, s30;
	s30 =	simm.s32 $0x7900;
	[sflag:s22] =	ssyncadd.s32 $0xFFFFE000  }
0xac: {  	[hbm4b:s24+s4] =	stream.linear.scatter [tilespmem:s30], [sflag:$0xE], $0x2000, $0x38;
	[tilespmem:$0x15900] =	vst v63  }
0xad: {  	_ =	swait.ge [sflag:s9], $0x2000  }
0xae: {  	[sflag:s9] =	ssyncset.done $0x0  }
0xaf: {  	s5 =	sadd.s32 $0x340, s28;
	[sflag:s9] =	ssyncadd.s32 $0xFFFFE000  }
0xb0: {  	[tilespmem:s30], [sflag:$0x4] =	stream.indirect.gather [hbm4b:s2+s19], $0x80, s5, s19, $0xb8;
	[tilespmem:$0x15900] =	vst v63  }
0xb1: {  	_ =	swait.ge [sflag:s10], $0x2000  }
0xb2: {  	s6 =	rddreg [dreg:$0x6];
	[sflag:s10] =	ssyncset.done $0x0  }
0xb3: {  	s29 =	simm.s32 $0x9900;
	[sflag:s10] =	ssyncadd.s32 $0xFFFFE000;
	s1 =	sadd.s32 s25, s6  }
0xb4: {  	[hbm4b:s1+s4] =	stream.linear.scatter [tilespmem:s29], [sflag:$0xF], $0x2000, $0x38;
	[tilespmem:$0x15900] =	vst v63  }
0xb5: {  	_ =	swait.ge [sflag:s11], $0x2000  }
0xb6: {  	[sflag:s11] =	ssyncset.done $0x0  }
0xb7: {  	s30 =	sadd.s32 $0x380, s28;
	[sflag:s11] =	ssyncadd.s32 $0xFFFFE000  }
0xb8: {  	[tilespmem:s29], [sflag:$0x5] =	stream.indirect.gather [hbm4b:s2+s19], $0x80, s30, s19, $0xb8;
	[tilespmem:$0x15900] =	vst v63  }
0xb9: {  	_ =	swait.ge [sflag:s13], $0x2000  }
0xba: {  	[sflag:s13] =	ssyncset.done $0x0  }
0xbb: {  	s5 =	simm.s32 $0xB900;
	s30 =	sadd.s32 $0x400, s1;
	[sflag:s13] =	ssyncadd.s32 $0xFFFFE000  }
0xbc: {  	[hbm4b:s30+s4] =	stream.linear.scatter [tilespmem:s5], [sflag:$0x10], $0x2000, $0x38;
	[tilespmem:$0x15900] =	vst v63  }
0xbd: {  	_ =	swait.ge [sflag:s14], $0x2000  }
0xbe: {  	[sflag:s14] =	ssyncset.done $0x0  }
0xbf: {  	s30 =	sadd.s32 $0x3C0, s28;
	[sflag:s14] =	ssyncadd.s32 $0xFFFFE000  }
0xc0: {  	[tilespmem:s5], [sflag:$0x6] =	stream.indirect.gather [hbm4b:s2+s19], $0x80, s30, s19, $0xb8;
	[tilespmem:$0x15900] =	vst v63  }
0xc1: {  	_ =	swait.ge [sflag:s15], $0x2000  }
0xc2: {  	s30 =	rddreg [dreg:$0x7];
	[sflag:s15] =	ssyncset.done $0x0  }
0xc3: {  	s6 =	simm.s32 $0xD900;
	[sflag:s15] =	ssyncadd.s32 $0xFFFFE000;
	s30 =	sadd.s32 s25, s30  }
0xc4: {  	[hbm4b:s30+s4] =	stream.linear.scatter [tilespmem:s6], [sflag:$0x11], $0x2000, $0x38;
	[tilespmem:$0x15900] =	vst v63  }
0xc5: {  	_ =	swait.ge [sflag:s16], $0x2000  }
0xc6: {  	[sflag:s16] =	ssyncset.done $0x0  }
0xc7: {  	s30 =	sadd.s32 $0x400, s28;
	[sflag:s16] =	ssyncadd.s32 $0xFFFFE000  }
0xc8: {  	[tilespmem:s6], [sflag:$0x7] =	stream.indirect.gather [hbm4b:s2+s19], $0x80, s30, s19, $0xb8;
	[tilespmem:$0x15900] =	vst v63  }
0xc9: {  	_ =	swait.ge [sflag:s17], $0x2000  }
0xca: {  	[sflag:s17] =	ssyncset.done $0x0  }
0xcb: {  	s1 =	sadd.s32 $0xC00, s1;
	s30 =	simm.s32 $0xF900;
	[sflag:s17] =	ssyncadd.s32 $0xFFFFE000  }
0xcc: {  	[hbm4b:s1+s4] =	stream.linear.scatter [tilespmem:s30], [sflag:$0x12], $0x2000, $0x38;
	[tilespmem:$0x15900] =	vst v63  }
0xcd: {  	_ =	swait.ge [sflag:s18], $0x2000  }
0xce: {  	[sflag:s18] =	ssyncset.done $0x0  }
0xcf: {  	s7 =	sadd.s32 $0x440, s28;
	[sflag:s18] =	ssyncadd.s32 $0xFFFFE000  }
0xd0: {  	[tilespmem:s30], [sflag:$0x8] =	stream.indirect.gather [hbm4b:s2+s19], $0x80, s7, s19, $0xb8;
	[tilespmem:$0x15900] =	vst v63  }
0xd1: {  	_ =	swait.ge [sflag:s3], $0x2000  }
0xd2: {  	s7 =	rddreg [dreg:$0x5];
	[sflag:s3] =	ssyncset.done $0x0  }
0xd3: {  	[sflag:s3] =	ssyncadd.s32 $0xFFFFE000;
	s1 =	sadd.s32 s25, s7;
	s7 =	simm.s32 $0x11900  }
0xd4: {  	[hbm4b:s1+s4] =	stream.linear.scatter [tilespmem:s7], [sflag:$0x13], $0x2000, $0x38;
	[tilespmem:$0x15900] =	vst v63  }
0xd5: {  	p0 =	sne.s32 s23, $0x5000;
	_ =	swait.ge [sflag:s12], $0x2000  }
0xd6: {  	s23 =	sadd.s32 $0xA00, s23;
	s31 =	simm.s32 $0x3900;
	[sflag:s12] =	ssyncset.done $0x0  }
0xd7: {  	s0 =	simm.s32 $0x5900;
	s1 =	sadd.s32 $0x480, s28;
	[sflag:s12] =	ssyncadd.s32 $0xFFFFE000  }
0xd8: {  	[tilespmem:s7], [sflag:$0x9] =	stream.indirect.gather [hbm4b:s2+s19], $0x80, s1, s19, $0xb8;
	[tilespmem:$0x15900] =	vst v63  }
0xd9: {  	s26 =	simm.s32 $0x1900;
	s22 =	simm.s32 $0x7900;
	_ =	swait.ge [sflag:s20], $0x2000  }
0xda: {  	s24 =	simm.s32 $0x9900;
	s7 =	rddreg [dreg:$0x4];
	[sflag:s20] =	ssyncset.done $0x0  }
.Ltmp0:
0xdb: {  	[sflag:s20] =	ssyncadd.s32 $0xFFFFE000;
	s1 =	sadd.s32 s25, s7;
	(pc) =	sbr.rel @p0 .LBB2_2-.Ltmp0, $4  }
0xdc: {  	[hbm4b:s1+s4] =	stream.linear.scatter [tilespmem:s8], [sflag:$0x14], $0x2000, $0x38;
	[tilespmem:$0x15900] =	vst v63  }
0xdd: {  	s29 =	simm.s32 $0xB900;
	s5 =	simm.s32 $0xD900;
	_ =	swait.ge [sflag:s21], $0x2000  }
0xde: {  	s6 =	simm.s32 $0xF900;
	s30 =	simm.s32 $0x11900;
	[sflag:s21] =	ssyncset.done $0x0  }
0xdf: {  	s28 =	sadd.s32 $0x4C0, s28;
	s25 =	sadd.s32 $0x2800, s25;
	[sflag:s21] =	ssyncadd.s32 $0xFFFFE000  }
0xe0: {  	s7 =	simm.s32 $0x13900;
	s1 =	simm.s32 $0x1  }
0xe1: {  	[tilespmem:s7], [sflag:$0xA] =	stream.indirect.gather [hbm4b:s2+s19], $0x80, s28, s19, $0xb8;
	[tilespmem:$0x15900] =	vst v63  }
0xe2: {  	_ =	swait.ge [sflag:s1], $0x2000  }
0xe3: {  	[sflag:s1] =	ssyncset.done $0x0  }
0xe4: {  	s23 =	simm.s32 $0x2;
	s25 =	rddreg [dreg:$0xc];
	[sflag:s1] =	ssyncadd.s32 $0xFFFFE000  }
0xe5: {  	[hbm4b:s25+s4] =	stream.linear.scatter [tilespmem:s26], [sflag:$0xB], $0x2000, $0x38;
	[tilespmem:$0x15900] =	vst v63  }
0xe6: {  	_ =	swait.ge [sflag:s23], $0x2000  }
0xe7: {  	[sflag:s23] =	ssyncset.done $0x0  }
0xe8: {  	s26 =	simm.s32 $0x3;
	s25 =	rddreg [dreg:$0xd];
	[sflag:s23] =	ssyncadd.s32 $0xFFFFE000  }
0xe9: {  	[hbm4b:s25+s4] =	stream.linear.scatter [tilespmem:s31], [sflag:$0xC], $0x2000, $0x38;
	[tilespmem:$0x15900] =	vst v63  }
0xea: {  	_ =	swait.ge [sflag:s26], $0x2000  }
0xeb: {  	[sflag:s26] =	ssyncset.done $0x0  }
0xec: {  	s23 =	simm.s32 $0x4;
	s31 =	rddreg [dreg:$0xe];
	[sflag:s26] =	ssyncadd.s32 $0xFFFFE000  }
0xed: {  	[hbm4b:s31+s4] =	stream.linear.scatter [tilespmem:s0], [sflag:$0xD], $0x2000, $0x38;
	[tilespmem:$0x15900] =	vst v63  }
0xee: {  	_ =	swait.ge [sflag:s23], $0x2000  }
0xef: {  	[sflag:s23] =	ssyncset.done $0x0  }
0xf0: {  	s25 =	rddreg [dreg:$0xf];
	[sflag:s23] =	ssyncadd.s32 $0xFFFFE000  }
0xf1: {  	[hbm4b:s25+s4] =	stream.linear.scatter [tilespmem:s22], [sflag:$0xE], $0x2000, $0x38;
	[tilespmem:$0x15900] =	vst v63  }
0xf2: {  	_ =	swait.ge [sflag:s10], $0x2000  }
0xf3: {  	[sflag:s10] =	ssyncset.done $0x0  }
0xf4: {  	s26 =	rddreg [dreg:$0x10];
	[sflag:s10] =	ssyncadd.s32 $0xFFFFE000  }
0xf5: {  	[hbm4b:s26+s4] =	stream.linear.scatter [tilespmem:s24], [sflag:$0xF], $0x2000, $0x38;
	[tilespmem:$0x15900] =	vst v63  }
0xf6: {  	_ =	swait.ge [sflag:s13], $0x2000  }
0xf7: {  	[sflag:s13] =	ssyncset.done $0x0  }
0xf8: {  	s31 =	rddreg [dreg:$0x11];
	[sflag:s13] =	ssyncadd.s32 $0xFFFFE000  }
0xf9: {  	[hbm4b:s31+s4] =	stream.linear.scatter [tilespmem:s29], [sflag:$0x10], $0x2000, $0x38;
	[tilespmem:$0x15900] =	vst v63  }
0xfa: {  	_ =	swait.ge [sflag:s15], $0x2000  }
0xfb: {  	[sflag:s15] =	ssyncset.done $0x0  }
0xfc: {  	s0 =	rddreg [dreg:$0x12];
	[sflag:s15] =	ssyncadd.s32 $0xFFFFE000  }
0xfd: {  	[hbm4b:s0+s4] =	stream.linear.scatter [tilespmem:s5], [sflag:$0x11], $0x2000, $0x38;
	[tilespmem:$0x15900] =	vst v63  }
0xfe: {  	_ =	swait.ge [sflag:s17], $0x2000  }
0xff: {  	[sflag:s17] =	ssyncset.done $0x0  }
0x100: {  	s22 =	rddreg [dreg:$0x13];
	[sflag:s17] =	ssyncadd.s32 $0xFFFFE000  }
0x101: {  	[hbm4b:s22+s4] =	stream.linear.scatter [tilespmem:s6], [sflag:$0x12], $0x2000, $0x38;
	[tilespmem:$0x15900] =	vst v63  }
0x102: {  	_ =	swait.ge [sflag:s3], $0x2000  }
0x103: {  	[sflag:s3] =	ssyncset.done $0x0  }
0x104: {  	s23 =	rddreg [dreg:$0x14];
	[sflag:s3] =	ssyncadd.s32 $0xFFFFE000  }
0x105: {  	[hbm4b:s23+s4] =	stream.linear.scatter [tilespmem:s30], [sflag:$0x13], $0x2000, $0x38;
	[tilespmem:$0x15900] =	vst v63  }
0x106: {  	_ =	swait.ge [sflag:s20], $0x2000  }
0x107: {  	[sflag:s20] =	ssyncset.done $0x0  }
0x108: {  	s25 =	simm.s32 $0xB;
	s24 =	rddreg [dreg:$0x15];
	[sflag:s20] =	ssyncadd.s32 $0xFFFFE000  }
0x109: {  	[hbm4b:s24+s4] =	stream.linear.scatter [tilespmem:s7], [sflag:$0x14], $0x2000, $0x38;
	[tilespmem:$0x15900] =	vst v63  }
0x10a: {  	_ =	swait.ge [sflag:s25], $0x2000  }
0x10b: {  	[sflag:s25] =	ssyncset.done $0x0  }
0x10c: {  	s26 =	simm.s32 $0xC;
	[sflag:s25] =	ssyncadd.s32 $0xFFFFE000  }
0x10d: {  	_ =	swait.ge [sflag:s26], $0x2000  }
0x10e: {  	[sflag:s26] =	ssyncset.done $0x0  }
0x10f: {  	s29 =	simm.s32 $0xD;
	[sflag:s26] =	ssyncadd.s32 $0xFFFFE000  }
0x110: {  	_ =	swait.ge [sflag:s29], $0x2000  }
0x111: {  	[sflag:s29] =	ssyncset.done $0x0  }
0x112: {  	[sflag:s29] =	ssyncadd.s32 $0xFFFFE000  }
0x113: {  	_ =	swait.ge [sflag:s9], $0x2000  }
0x114: {  	[sflag:s9] =	ssyncset.done $0x0  }
0x115: {  	[sflag:s9] =	ssyncadd.s32 $0xFFFFE000  }
0x116: {  	_ =	swait.ge [sflag:s11], $0x2000  }
0x117: {  	[sflag:s11] =	ssyncset.done $0x0  }
0x118: {  	[sflag:s11] =	ssyncadd.s32 $0xFFFFE000  }
0x119: {  	_ =	swait.ge [sflag:s14], $0x2000  }
0x11a: {  	[sflag:s14] =	ssyncset.done $0x0  }
0x11b: {  	[sflag:s14] =	ssyncadd.s32 $0xFFFFE000  }
0x11c: {  	_ =	swait.ge [sflag:s16], $0x2000  }
0x11d: {  	[sflag:s16] =	ssyncset.done $0x0  }
0x11e: {  	[sflag:s16] =	ssyncadd.s32 $0xFFFFE000  }
0x11f: {  	_ =	swait.ge [sflag:s18], $0x2000  }
0x120: {  	[sflag:s18] =	ssyncset.done $0x0  }
0x121: {  	[sflag:s18] =	ssyncadd.s32 $0xFFFFE000  }
0x122: {  	_ =	swait.ge [sflag:s12], $0x2000  }
0x123: {  	[sflag:s12] =	ssyncset.done $0x0  }
0x124: {  	[sflag:s12] =	ssyncadd.s32 $0xFFFFE000  }
0x125: {  	_ =	swait.ge [sflag:s21], $0x2000  }
0x126: {  	s30 =	rddreg [dreg:$0x17]  }
0x127: {  	s31 =	rddreg [dreg:$0x16];
	s0 =	sadd.s32 $0x1, s30  }
0x128: {  	p0 =	sne.s32 s0, s31  }
.Ltmp1:
0x129: {  	_ = 	snop;
	(pc) =	sbr.rel @p0 .LBB2_1-.Ltmp1, $3  }
0x12a: {  	_ =	sdelay $0x1  }
0x12b: {  	[sflag:s21] =	ssyncset.done $0x0  }
0x12c: {  	s28 =	rddreg [dreg:$0xa];
	[sflag:s21] =	ssyncadd.s32 $0xFFFFE000  }
0x12d: {  	_ =	sfence.sel $0x180000  }
0x12e: {  	[bflag:$0x0] =	sbarrier.arrive $0xFFFF  }
0x12f: {  	_ =	strace $0x90000047  }
0x130: {  	s0 =	stileid.u32;
	[bflag:$0x2] =	sbarrier.arrive $0xFFFF  }
0x131: {  	p0 =	sne.s32 s0, $0x0;
	s0 =	rddreg [dreg:$0x3]  }
0x132: {  	s0 =	sadd.s32 @!p0 $0x100000, s0  }
0x133: {  	[sflag:s0] =	ssyncadd.tile.s32 @!p0 $0x1;
	_ =	shalt  }
.Lfunc_end2:
_tile_overlayer_lowered:
.L_overlay_start_2:
0x134: {  	(tag) =	ssettag $0x2  }
0x135: {  	s0 =	rddreg [dreg:$0x0];
	s2 =	stileid.u32  }
0x136: {  	s1 =	rddreg [dreg:$0x1];
	p0 =	sne.s32 s2, $0x0  }
0x137: {  	s3 =	rddreg [dreg:$0x2];
	[bflag:$0x3] =	sbarrier.arrive $0xFFFF;
	s2 =	simm.s32 @!p0 $0x1C15  }
0x138: {  	[timem:s3], [sflag:s2] =	dma.local @!p0 [hbm:s0], s1  }
0x139: {  	s0 =	simm.s32 @!p0 $0x15  }
0x13a: {  	_ =	swait.ge @!p0 [sflag:s0], s1  }
0x13b: {  	s1 =	ssub.s32 @!p0 $0x0, s1;
	[sflag:s0] =	ssyncset.done @!p0 $0x0  }
0x13c: {  	[sflag:s0] =	ssyncadd.s32 @!p0 s1  }
0x13d: {  	[bflag:$0x3] =	sbarrier.arrive $0xFFFF  }
0x13e: {  	_ =	shalt  }

</sc_bundles>
